<compile_context>
chip_gen: v7x
topology: tpu7x:2x2x1
jax: 0.10.2.dev20260603
libtpu: 0.0.44.dev20260713+nightly
codegen_flags: <defaults>
</compile_context>

<pallas_src>
import functools

import jax
import jax.numpy as jnp
from jax import lax
from jax.experimental import pallas as pl
from jax.experimental.pallas import tpu as pltpu
from jax.experimental.pallas import tpu_sc as plsc

LANES = 16
NUM_CORES = 2
NUM_SUBCORES = 16
NUM_WORKERS = NUM_CORES * NUM_SUBCORES
CHUNK = 64
N_SLOT = 4


def _tec_body(heads_hbm, rel_hbm, tails_hbm, entity_hbm, relw_hbm, out_hbm,
              idx_h, idx_r, idx_t, rel_sh, hrbufs, tbufs, obufs,
              hsems, tsems, rsems, osems):
    batch = out_hbm.shape[0]
    embed = out_hbm.shape[1]
    b_per_w = batch // NUM_WORKERS
    n_chunks = b_per_w // CHUNK
    groups = n_chunks // N_SLOT
    sid = lax.axis_index("s")
    wid = sid * NUM_CORES + lax.axis_index("c")
    base = wid * b_per_w

    ih = pltpu.make_async_copy(heads_hbm.at[pl.ds(base, b_per_w)], idx_h,
                               hsems[0])
    ir = pltpu.make_async_copy(rel_hbm.at[pl.ds(base, b_per_w)], idx_r,
                               rsems[0])
    it = pltpu.make_async_copy(tails_hbm.at[pl.ds(base, b_per_w)], idx_t,
                               tsems[0])
    ih.start()
    ir.start()
    it.start()
    ih.wait()
    it.wait()

    def h_copy(c, k):
        s = pl.ds(c * CHUNK, CHUNK)
        return pltpu.make_async_copy(entity_hbm.at[idx_h.at[s]], hrbufs[k],
                                     hsems[k])

    def t_copy(c, k):
        s = pl.ds(c * CHUNK, CHUNK)
        return pltpu.make_async_copy(entity_hbm.at[idx_t.at[s]], tbufs[k],
                                     tsems[k])

    def r_add(c, k):
        s = pl.ds(c * CHUNK, CHUNK)
        return pltpu.async_copy(rel_sh.at[idx_r.at[s]], hrbufs[k], rsems[k],
                                add=True)

    def r_wait(k):
        pltpu.make_async_copy(rel_sh.at[pl.ds(0, CHUNK)], hrbufs[k],
                              rsems[k]).wait()

    def o_copy(c, k):
        return pltpu.make_async_copy(
            obufs[k], out_hbm.at[pl.ds(base + c * CHUNK, CHUNK)], osems[k])

    for k in range(N_SLOT):
        h_copy(k, k).start()
        t_copy(k, k).start()

    @pl.when(sid == 0)
    def _stage_rel():
        pltpu.sync_copy(relw_hbm, rel_sh)
    plsc.subcore_barrier()

    ir.wait()
    h_copy(0, 0).wait()
    r_add(0, 0)

    def group_body(g, carry):
        for k in range(N_SLOT):
            c = g * N_SLOT + k
            kn = (k + 1) % N_SLOT

            @pl.when(c + 1 < n_chunks)
            def _prime_next_radd():
                h_copy(c + 1, kn).wait()
                r_add(c + 1, kn)

            r_wait(k)
            t_copy(c, k).wait()

            @pl.when(g > 0)
            def _reclaim_obuf():
                o_copy(c, k).wait()

            hr = hrbufs[k]
            t = tbufs[k]
            o = obufs[k]

            @plsc.parallel_loop(0, CHUNK, 1, unroll=4)
            def _compute(j):
                for kk in range(embed // LANES):
                    s = pl.ds(kk * LANES, LANES)
                    o[j, s] = hr[j, s] - t[j, s]

            o_copy(c, k).start()

            @pl.when(g + 1 < groups)
            def _prefetch():
                h_copy(c + N_SLOT, k).start()
                t_copy(c + N_SLOT, k).start()
        return carry

    lax.fori_loop(0, groups, group_body, 0)

    for k in range(N_SLOT):
        o_copy(n_chunks - N_SLOT + k, k).wait()


def _body_wrapper(heads_hbm, rel_hbm, tails_hbm, entity_hbm, relw_hbm,
                  out_hbm, idx_h, idx_r, idx_t, *rest):
    n = N_SLOT
    rel_sh = rest[-1]
    rest = rest[:-1]
    hrbufs = tuple(rest[0:n])
    tbufs = tuple(rest[n:2 * n])
    obufs = tuple(rest[2 * n:3 * n])
    hsems = tuple(rest[3 * n:4 * n])
    tsems = tuple(rest[4 * n:5 * n])
    rsems = tuple(rest[5 * n:6 * n])
    osems = tuple(rest[6 * n:7 * n])
    _tec_body(heads_hbm, rel_hbm, tails_hbm, entity_hbm, relw_hbm, out_hbm,
              idx_h, idx_r, idx_t, rel_sh, hrbufs, tbufs, obufs,
              hsems, tsems, rsems, osems)


def kernel(heads, relations, tails, entity_weight, rel_weight):
    batch = heads.shape[0]
    embed = entity_weight.shape[1]
    b_per_w = batch // NUM_WORKERS
    heads = heads.astype(jnp.int32)
    relations = relations.astype(jnp.int32)
    tails = tails.astype(jnp.int32)

    mesh = plsc.VectorSubcoreMesh(core_axis_name="c", subcore_axis_name="s")
    scratch = [pltpu.VMEM((b_per_w,), jnp.int32)] * 3
    scratch += [pltpu.VMEM((CHUNK, embed), jnp.float32)] * (3 * N_SLOT)
    scratch += [pltpu.SemaphoreType.DMA] * (4 * N_SLOT)
    scratch += [pltpu.VMEM_SHARED(rel_weight.shape, jnp.float32)]
    run = functools.partial(
        pl.kernel,
        mesh=mesh,
        out_type=jax.ShapeDtypeStruct((batch, embed), jnp.float32),
        scratch_types=scratch,
    )(_body_wrapper)
    return run(heads, relations, tails, entity_weight, rel_weight)

# --- scband reference (transcript-rebuilt; emitter-appended) ---
"""Pipeline reference for scband-trans-e-84327387889747 (READ-ONLY COPY).

The authoritative reference and input builder live on the scoring server;
editing this copy changes nothing except your own understanding.
"""

import jax, jax.numpy as jnp
import numpy as np

ENTITY_SIZE = 100000
REL_SIZE = 1000
EMBED_DIM = 128
BATCH = 16384


def setup_inputs(seed: int = 0) -> dict:
    key = jax.random.key(seed)
    k1, k2, k3, k4, k5 = jax.random.split(key, 5)
    heads = jax.random.randint(k1, (BATCH,), 0, ENTITY_SIZE, dtype=jnp.int64 if jax.config.jax_enable_x64 else jnp.int32)
    relations = jax.random.randint(k2, (BATCH,), 0, REL_SIZE, dtype=jnp.int64 if jax.config.jax_enable_x64 else jnp.int32)
    tails = jax.random.randint(k3, (BATCH,), 0, ENTITY_SIZE, dtype=jnp.int64 if jax.config.jax_enable_x64 else jnp.int32)
    # learned parameters (nn.Embedding default init ~ N(0,1))
    entity_weight = jax.random.normal(k4, (ENTITY_SIZE, EMBED_DIM), dtype=jnp.float32)
    rel_weight = jax.random.normal(k5, (REL_SIZE, EMBED_DIM), dtype=jnp.float32)
    return {
        "heads": heads,
        "relations": relations,
        "tails": tails,
        "entity_weight": entity_weight,
        "rel_weight": rel_weight,
    }


def reference(heads, relations, tails, entity_weight, rel_weight):
    h_embed = jnp.take(entity_weight, heads, axis=0)
    r_embed = jnp.take(rel_weight, relations, axis=0)
    t_embed = jnp.take(entity_weight, tails, axis=0)
    d = h_embed + r_embed - t_embed
    return d

if __name__ == "__main__":
    import jax
    _d = setup_inputs()
    print(jax.jit(kernel)(*tuple(_d.values())))

</pallas_src>

<mosaic_0001>
#map = affine_map<(d0, d1) -> (0)>
#map1 = affine_map<(d0, d1) -> (0, 0)>
module attributes {stable_mosaic.version = 14 : i64} {
  func.func @_body_wrapper(%arg0: i32, %arg1: i32, %arg2: memref<16384xi32, #tpu.memory_space<hbm>>, %arg3: memref<16384xi32, #tpu.memory_space<hbm>>, %arg4: memref<16384xi32, #tpu.memory_space<hbm>>, %arg5: memref<100000x128xf32, #tpu.memory_space<hbm>>, %arg6: memref<1000x128xf32, #tpu.memory_space<hbm>>, %arg7: memref<16384x128xf32, #tpu.memory_space<hbm>>, %arg8: memref<512xi32, #tpu.memory_space<vmem>>, %arg9: memref<512xi32, #tpu.memory_space<vmem>>, %arg10: memref<512xi32, #tpu.memory_space<vmem>>, %arg11: memref<64x128xf32, #tpu.memory_space<vmem>>, %arg12: memref<64x128xf32, #tpu.memory_space<vmem>>, %arg13: memref<64x128xf32, #tpu.memory_space<vmem>>, %arg14: memref<64x128xf32, #tpu.memory_space<vmem>>, %arg15: memref<64x128xf32, #tpu.memory_space<vmem>>, %arg16: memref<64x128xf32, #tpu.memory_space<vmem>>, %arg17: memref<64x128xf32, #tpu.memory_space<vmem>>, %arg18: memref<64x128xf32, #tpu.memory_space<vmem>>, %arg19: memref<64x128xf32, #tpu.memory_space<vmem>>, %arg20: memref<64x128xf32, #tpu.memory_space<vmem>>, %arg21: memref<64x128xf32, #tpu.memory_space<vmem>>, %arg22: memref<64x128xf32, #tpu.memory_space<vmem>>, %arg23: memref<!tpu.dma_semaphore, #tpu.memory_space<semaphore_mem>>, %arg24: memref<!tpu.dma_semaphore, #tpu.memory_space<semaphore_mem>>, %arg25: memref<!tpu.dma_semaphore, #tpu.memory_space<semaphore_mem>>, %arg26: memref<!tpu.dma_semaphore, #tpu.memory_space<semaphore_mem>>, %arg27: memref<!tpu.dma_semaphore, #tpu.memory_space<semaphore_mem>>, %arg28: memref<!tpu.dma_semaphore, #tpu.memory_space<semaphore_mem>>, %arg29: memref<!tpu.dma_semaphore, #tpu.memory_space<semaphore_mem>>, %arg30: memref<!tpu.dma_semaphore, #tpu.memory_space<semaphore_mem>>, %arg31: memref<!tpu.dma_semaphore, #tpu.memory_space<semaphore_mem>>, %arg32: memref<!tpu.dma_semaphore, #tpu.memory_space<semaphore_mem>>, %arg33: memref<!tpu.dma_semaphore, #tpu.memory_space<semaphore_mem>>, %arg34: memref<!tpu.dma_semaphore, #tpu.memory_space<semaphore_mem>>, %arg35: memref<!tpu.dma_semaphore, #tpu.memory_space<semaphore_mem>>, %arg36: memref<!tpu.dma_semaphore, #tpu.memory_space<semaphore_mem>>, %arg37: memref<!tpu.dma_semaphore, #tpu.memory_space<semaphore_mem>>, %arg38: memref<!tpu.dma_semaphore, #tpu.memory_space<semaphore_mem>>, %arg39: memref<1000x128xf32, #tpu.memory_space<vmem_shared>>) attributes {dimension_semantics = [#tpu.dimension_semantics<core_parallel>, #tpu.dimension_semantics<subcore_parallel>], iteration_bounds = array<i64: 2, 16>, scalar_prefetch = 0 : i64, scratch_operands = 32 : i64, tpu.core_type = #tpu.core_type<sc_vector_subcore>, window_params = [{transform_indices = #map}, {transform_indices = #map}, {transform_indices = #map}, {transform_indices = #map1}, {transform_indices = #map1}, {transform_indices = #map1}]} {
    %mul3A = arith.constant 2 : i32
    %mul3A_0 = arith.muli %arg1, %mul3A : i32
    %add3A = arith.addi %mul3A_0, %arg0 : i32
    %mul3A_1 = arith.constant 512 : i32
    %mul3A_2 = arith.muli %add3A, %mul3A_1 : i32
    %dma_start3A = tpu.memref_slice %arg2[%mul3A_2] : memref<16384xi32, #tpu.memory_space<hbm>> -> memref<512xi32, #tpu.memory_space<hbm>>
    %dma_start3A_3 = tpu.memref_slice %arg2[%mul3A_2] : memref<16384xi32, #tpu.memory_space<hbm>> -> memref<512xi32, #tpu.memory_space<hbm>>
    tpu.enqueue_dma source(%dma_start3A_3 : memref<512xi32, #tpu.memory_space<hbm>>) target(%arg8 : memref<512xi32, #tpu.memory_space<vmem>>) target_semaphore(%arg23 : memref<!tpu.dma_semaphore, #tpu.memory_space<semaphore_mem>>)
    %dma_start3A_4 = tpu.memref_slice %arg3[%mul3A_2] : memref<16384xi32, #tpu.memory_space<hbm>> -> memref<512xi32, #tpu.memory_space<hbm>>
    %dma_start3A_5 = tpu.memref_slice %arg3[%mul3A_2] : memref<16384xi32, #tpu.memory_space<hbm>> -> memref<512xi32, #tpu.memory_space<hbm>>
    tpu.enqueue_dma source(%dma_start3A_5 : memref<512xi32, #tpu.memory_space<hbm>>) target(%arg9 : memref<512xi32, #tpu.memory_space<vmem>>) target_semaphore(%arg31 : memref<!tpu.dma_semaphore, #tpu.memory_space<semaphore_mem>>)
    %dma_start3A_6 = tpu.memref_slice %arg4[%mul3A_2] : memref<16384xi32, #tpu.memory_space<hbm>> -> memref<512xi32, #tpu.memory_space<hbm>>
    %dma_start3A_7 = tpu.memref_slice %arg4[%mul3A_2] : memref<16384xi32, #tpu.memory_space<hbm>> -> memref<512xi32, #tpu.memory_space<hbm>>
    tpu.enqueue_dma source(%dma_start3A_7 : memref<512xi32, #tpu.memory_space<hbm>>) target(%arg10 : memref<512xi32, #tpu.memory_space<vmem>>) target_semaphore(%arg27 : memref<!tpu.dma_semaphore, #tpu.memory_space<semaphore_mem>>)
    %dma_wait3A = tpu.memref_slice %arg2[%mul3A_2] : memref<16384xi32, #tpu.memory_space<hbm>> -> memref<512xi32, #tpu.memory_space<hbm>>
    %dma_wait3A_8 = tpu.memref_slice %arg2[%mul3A_2] : memref<16384xi32, #tpu.memory_space<hbm>> -> memref<512xi32, #tpu.memory_space<hbm>>
    tpu.wait_dma2 semaphore(%arg23 : memref<!tpu.dma_semaphore, #tpu.memory_space<semaphore_mem>>) src(%dma_wait3A_8 : memref<512xi32, #tpu.memory_space<hbm>>) dst(%arg8 : memref<512xi32, #tpu.memory_space<vmem>>)
    %dma_wait3A_9 = tpu.memref_slice %arg4[%mul3A_2] : memref<16384xi32, #tpu.memory_space<hbm>> -> memref<512xi32, #tpu.memory_space<hbm>>
    %dma_wait3A_10 = tpu.memref_slice %arg4[%mul3A_2] : memref<16384xi32, #tpu.memory_space<hbm>> -> memref<512xi32, #tpu.memory_space<hbm>>
    tpu.wait_dma2 semaphore(%arg27 : memref<!tpu.dma_semaphore, #tpu.memory_space<semaphore_mem>>) src(%dma_wait3A_10 : memref<512xi32, #tpu.memory_space<hbm>>) dst(%arg10 : memref<512xi32, #tpu.memory_space<vmem>>)
    %dma_start3A_11 = arith.constant 0 : i32
    %dma_start3A_12 = tpu.memref_slice %arg8[%dma_start3A_11] : memref<512xi32, #tpu.memory_space<vmem>> -> memref<64xi32, #tpu.memory_space<vmem>>
    %dma_start3A_13 = arith.constant 0 : i32
    %dma_start3A_14 = arith.constant 0 : i32
    %dma_start3A_15 = tpu.memref_slice %arg5[%dma_start3A_13, %dma_start3A_14] : memref<100000x128xf32, #tpu.memory_space<hbm>> -> memref<100000x128xf32, #tpu.memory_space<hbm>>
    tpu.enqueue_indirect_dma source(%dma_start3A_15 : memref<100000x128xf32, #tpu.memory_space<hbm>>) target(%arg11 : memref<64x128xf32, #tpu.memory_space<vmem>>) offsets(%dma_start3A_12 : memref<64xi32, #tpu.memory_space<vmem>>) semaphore(%arg23 : memref<!tpu.dma_semaphore, #tpu.memory_space<semaphore_mem>>)
    %dma_start3A_16 = arith.constant 0 : i32
    %dma_start3A_17 = tpu.memref_slice %arg10[%dma_start3A_16] : memref<512xi32, #tpu.memory_space<vmem>> -> memref<64xi32, #tpu.memory_space<vmem>>
    %dma_start3A_18 = arith.constant 0 : i32
    %dma_start3A_19 = arith.constant 0 : i32
    %dma_start3A_20 = tpu.memref_slice %arg5[%dma_start3A_18, %dma_start3A_19] : memref<100000x128xf32, #tpu.memory_space<hbm>> -> memref<100000x128xf32, #tpu.memory_space<hbm>>
    tpu.enqueue_indirect_dma source(%dma_start3A_20 : memref<100000x128xf32, #tpu.memory_space<hbm>>) target(%arg15 : memref<64x128xf32, #tpu.memory_space<vmem>>) offsets(%dma_start3A_17 : memref<64xi32, #tpu.memory_space<vmem>>) semaphore(%arg27 : memref<!tpu.dma_semaphore, #tpu.memory_space<semaphore_mem>>)
    %dma_start3A_21 = arith.constant 64 : i32
    %dma_start3A_22 = tpu.memref_slice %arg8[%dma_start3A_21] : memref<512xi32, #tpu.memory_space<vmem>> -> memref<64xi32, #tpu.memory_space<vmem>>
    %dma_start3A_23 = arith.constant 0 : i32
    %dma_start3A_24 = arith.constant 0 : i32
    %dma_start3A_25 = tpu.memref_slice %arg5[%dma_start3A_23, %dma_start3A_24] : memref<100000x128xf32, #tpu.memory_space<hbm>> -> memref<100000x128xf32, #tpu.memory_space<hbm>>
    tpu.enqueue_indirect_dma source(%dma_start3A_25 : memref<100000x128xf32, #tpu.memory_space<hbm>>) target(%arg12 : memref<64x128xf32, #tpu.memory_space<vmem>>) offsets(%dma_start3A_22 : memref<64xi32, #tpu.memory_space<vmem>>) semaphore(%arg24 : memref<!tpu.dma_semaphore, #tpu.memory_space<semaphore_mem>>)
    %dma_start3A_26 = arith.constant 64 : i32
    %dma_start3A_27 = tpu.memref_slice %arg10[%dma_start3A_26] : memref<512xi32, #tpu.memory_space<vmem>> -> memref<64xi32, #tpu.memory_space<vmem>>
    %dma_start3A_28 = arith.constant 0 : i32
    %dma_start3A_29 = arith.constant 0 : i32
    %dma_start3A_30 = tpu.memref_slice %arg5[%dma_start3A_28, %dma_start3A_29] : memref<100000x128xf32, #tpu.memory_space<hbm>> -> memref<100000x128xf32, #tpu.memory_space<hbm>>
    tpu.enqueue_indirect_dma source(%dma_start3A_30 : memref<100000x128xf32, #tpu.memory_space<hbm>>) target(%arg16 : memref<64x128xf32, #tpu.memory_space<vmem>>) offsets(%dma_start3A_27 : memref<64xi32, #tpu.memory_space<vmem>>) semaphore(%arg28 : memref<!tpu.dma_semaphore, #tpu.memory_space<semaphore_mem>>)
    %dma_start3A_31 = arith.constant 128 : i32
    %dma_start3A_32 = tpu.memref_slice %arg8[%dma_start3A_31] : memref<512xi32, #tpu.memory_space<vmem>> -> memref<64xi32, #tpu.memory_space<vmem>>
    %dma_start3A_33 = arith.constant 0 : i32
    %dma_start3A_34 = arith.constant 0 : i32
    %dma_start3A_35 = tpu.memref_slice %arg5[%dma_start3A_33, %dma_start3A_34] : memref<100000x128xf32, #tpu.memory_space<hbm>> -> memref<100000x128xf32, #tpu.memory_space<hbm>>
    tpu.enqueue_indirect_dma source(%dma_start3A_35 : memref<100000x128xf32, #tpu.memory_space<hbm>>) target(%arg13 : memref<64x128xf32, #tpu.memory_space<vmem>>) offsets(%dma_start3A_32 : memref<64xi32, #tpu.memory_space<vmem>>) semaphore(%arg25 : memref<!tpu.dma_semaphore, #tpu.memory_space<semaphore_mem>>)
    %dma_start3A_36 = arith.constant 128 : i32
    %dma_start3A_37 = tpu.memref_slice %arg10[%dma_start3A_36] : memref<512xi32, #tpu.memory_space<vmem>> -> memref<64xi32, #tpu.memory_space<vmem>>
    %dma_start3A_38 = arith.constant 0 : i32
    %dma_start3A_39 = arith.constant 0 : i32
    %dma_start3A_40 = tpu.memref_slice %arg5[%dma_start3A_38, %dma_start3A_39] : memref<100000x128xf32, #tpu.memory_space<hbm>> -> memref<100000x128xf32, #tpu.memory_space<hbm>>
    tpu.enqueue_indirect_dma source(%dma_start3A_40 : memref<100000x128xf32, #tpu.memory_space<hbm>>) target(%arg17 : memref<64x128xf32, #tpu.memory_space<vmem>>) offsets(%dma_start3A_37 : memref<64xi32, #tpu.memory_space<vmem>>) semaphore(%arg29 : memref<!tpu.dma_semaphore, #tpu.memory_space<semaphore_mem>>)
    %dma_start3A_41 = arith.constant 192 : i32
    %dma_start3A_42 = tpu.memref_slice %arg8[%dma_start3A_41] : memref<512xi32, #tpu.memory_space<vmem>> -> memref<64xi32, #tpu.memory_space<vmem>>
    %dma_start3A_43 = arith.constant 0 : i32
    %dma_start3A_44 = arith.constant 0 : i32
    %dma_start3A_45 = tpu.memref_slice %arg5[%dma_start3A_43, %dma_start3A_44] : memref<100000x128xf32, #tpu.memory_space<hbm>> -> memref<100000x128xf32, #tpu.memory_space<hbm>>
    tpu.enqueue_indirect_dma source(%dma_start3A_45 : memref<100000x128xf32, #tpu.memory_space<hbm>>) target(%arg14 : memref<64x128xf32, #tpu.memory_space<vmem>>) offsets(%dma_start3A_42 : memref<64xi32, #tpu.memory_space<vmem>>) semaphore(%arg26 : memref<!tpu.dma_semaphore, #tpu.memory_space<semaphore_mem>>)
    %dma_start3A_46 = arith.constant 192 : i32
    %dma_start3A_47 = tpu.memref_slice %arg10[%dma_start3A_46] : memref<512xi32, #tpu.memory_space<vmem>> -> memref<64xi32, #tpu.memory_space<vmem>>
    %dma_start3A_48 = arith.constant 0 : i32
    %dma_start3A_49 = arith.constant 0 : i32
    %dma_start3A_50 = tpu.memref_slice %arg5[%dma_start3A_48, %dma_start3A_49] : memref<100000x128xf32, #tpu.memory_space<hbm>> -> memref<100000x128xf32, #tpu.memory_space<hbm>>
    tpu.enqueue_indirect_dma source(%dma_start3A_50 : memref<100000x128xf32, #tpu.memory_space<hbm>>) target(%arg18 : memref<64x128xf32, #tpu.memory_space<vmem>>) offsets(%dma_start3A_47 : memref<64xi32, #tpu.memory_space<vmem>>) semaphore(%arg30 : memref<!tpu.dma_semaphore, #tpu.memory_space<semaphore_mem>>)
    %eq3A = arith.constant 0 : i32
    %eq3A_51 = arith.cmpi eq, %arg1, %eq3A : i32
    %convert_element_type3A = arith.extui %eq3A_51 : i1 to i32
    %cond3A = arith.constant 0 : i32
    %cond3A_52 = arith.cmpi ne, %convert_element_type3A, %cond3A : i32
    scf.if %cond3A_52 {
      "tpu.region"() ({
        %run_scoped3A = tpu.sem_alloc : memref<!tpu.dma_semaphore, #tpu.memory_space<semaphore_mem>>
        tpu.enqueue_dma source(%arg6 : memref<1000x128xf32, #tpu.memory_space<hbm>>) target(%arg39 : memref<1000x128xf32, #tpu.memory_space<vmem_shared>>) target_semaphore(%run_scoped3A : memref<!tpu.dma_semaphore, #tpu.memory_space<semaphore_mem>>)
        tpu.wait_dma2 semaphore(%run_scoped3A : memref<!tpu.dma_semaphore, #tpu.memory_space<semaphore_mem>>) src(%arg6 : memref<1000x128xf32, #tpu.memory_space<hbm>>) dst(%arg39 : memref<1000x128xf32, #tpu.memory_space<vmem_shared>>)
        tpu.yield
      }) : () -> ()
    } else {
    }
    %barrier3A = arith.constant 0 : index
    tpu.barrier barrier_id(%barrier3A)
    %dma_wait3A_53 = tpu.memref_slice %arg3[%mul3A_2] : memref<16384xi32, #tpu.memory_space<hbm>> -> memref<512xi32, #tpu.memory_space<hbm>>
    %dma_wait3A_54 = tpu.memref_slice %arg3[%mul3A_2] : memref<16384xi32, #tpu.memory_space<hbm>> -> memref<512xi32, #tpu.memory_space<hbm>>
    tpu.wait_dma2 semaphore(%arg31 : memref<!tpu.dma_semaphore, #tpu.memory_space<semaphore_mem>>) src(%dma_wait3A_54 : memref<512xi32, #tpu.memory_space<hbm>>) dst(%arg9 : memref<512xi32, #tpu.memory_space<vmem>>)
    %dma_wait3A_55 = arith.constant 0 : i32
    %dma_wait3A_56 = tpu.memref_slice %arg8[%dma_wait3A_55] : memref<512xi32, #tpu.memory_space<vmem>> -> memref<64xi32, #tpu.memory_space<vmem>>
    %dma_wait3A_57 = arith.constant 0 : i32
    %dma_wait3A_58 = arith.constant 0 : i32
    %dma_wait3A_59 = tpu.memref_slice %arg5[%dma_wait3A_57, %dma_wait3A_58] : memref<100000x128xf32, #tpu.memory_space<hbm>> -> memref<100000x128xf32, #tpu.memory_space<hbm>>
    tpu.wait_indirect_dma semaphore(%arg23 : memref<!tpu.dma_semaphore, #tpu.memory_space<semaphore_mem>>) src(%dma_wait3A_59 : memref<100000x128xf32, #tpu.memory_space<hbm>>) dst(%arg11 : memref<64x128xf32, #tpu.memory_space<vmem>>)
    %dma_start3A_60 = arith.constant 0 : i32
    %dma_start3A_61 = tpu.memref_slice %arg9[%dma_start3A_60] : memref<512xi32, #tpu.memory_space<vmem>> -> memref<64xi32, #tpu.memory_space<vmem>>
    %dma_start3A_62 = arith.constant 0 : i32
    %dma_start3A_63 = arith.constant 0 : i32
    %dma_start3A_64 = tpu.memref_slice %arg39[%dma_start3A_62, %dma_start3A_63] : memref<1000x128xf32, #tpu.memory_space<vmem_shared>> -> memref<1000x128xf32, #tpu.memory_space<vmem_shared>>
    tpu.enqueue_indirect_dma source(%dma_start3A_64 : memref<1000x128xf32, #tpu.memory_space<vmem_shared>>) target(%arg11 : memref<64x128xf32, #tpu.memory_space<vmem>>) offsets(%dma_start3A_61 : memref<64xi32, #tpu.memory_space<vmem>>) semaphore(%arg31 : memref<!tpu.dma_semaphore, #tpu.memory_space<semaphore_mem>>) {add = true}
    %scan3A = arith.constant 0 : i32
    %scan3A_65 = arith.constant 0 : i32
    %scan3A_66 = arith.constant 2 : i32
    %scan3A_67 = arith.addi %scan3A_65, %scan3A_66 : i32
    %scan3A_68 = arith.constant 1 : i32
    scf.for %scan3A_94 = %scan3A_65 to %scan3A_67 step %scan3A_68  : i32 {
      %mul3A_95 = arith.constant 4 : i32
      %mul3A_96 = arith.muli %scan3A_94, %mul3A_95 : i32
      %add3A_97 = arith.constant 0 : i32
      %add3A_98 = arith.addi %mul3A_96, %add3A_97 : i32
      %add3A_99 = arith.constant 1 : i32
      %add3A_100 = arith.addi %add3A_98, %add3A_99 : i32
      %lt3A = arith.constant 8 : i32
      %lt3A_101 = arith.cmpi slt, %add3A_100, %lt3A : i32
      %convert_element_type3A_102 = arith.extui %lt3A_101 : i1 to i32
      %cond3A_103 = arith.constant 0 : i32
      %cond3A_104 = arith.cmpi ne, %convert_element_type3A_102, %cond3A_103 : i32
      scf.if %cond3A_104 {
        %add3A_272 = arith.constant 1 : i32
        %add3A_273 = arith.addi %add3A_98, %add3A_272 : i32
        %mul3A_274 = arith.constant 64 : i32
        %mul3A_275 = arith.muli %add3A_273, %mul3A_274 : i32
        %dma_wait3A_276 = tpu.memref_slice %arg8[%mul3A_275] : memref<512xi32, #tpu.memory_space<vmem>> -> memref<64xi32, #tpu.memory_space<vmem>>
        %dma_wait3A_277 = arith.constant 0 : i32
        %dma_wait3A_278 = arith.constant 0 : i32
        %dma_wait3A_279 = tpu.memref_slice %arg5[%dma_wait3A_277, %dma_wait3A_278] : memref<100000x128xf32, #tpu.memory_space<hbm>> -> memref<100000x128xf32, #tpu.memory_space<hbm>>
        tpu.wait_indirect_dma semaphore(%arg24 : memref<!tpu.dma_semaphore, #tpu.memory_space<semaphore_mem>>) src(%dma_wait3A_279 : memref<100000x128xf32, #tpu.memory_space<hbm>>) dst(%arg12 : memref<64x128xf32, #tpu.memory_space<vmem>>)
        %add3A_280 = arith.constant 1 : i32
        %add3A_281 = arith.addi %add3A_98, %add3A_280 : i32
        %mul3A_282 = arith.constant 64 : i32
        %mul3A_283 = arith.muli %add3A_281, %mul3A_282 : i32
        %dma_start3A_284 = tpu.memref_slice %arg9[%mul3A_283] : memref<512xi32, #tpu.memory_space<vmem>> -> memref<64xi32, #tpu.memory_space<vmem>>
        %dma_start3A_285 = arith.constant 0 : i32
        %dma_start3A_286 = arith.constant 0 : i32
        %dma_start3A_287 = tpu.memref_slice %arg39[%dma_start3A_285, %dma_start3A_286] : memref<1000x128xf32, #tpu.memory_space<vmem_shared>> -> memref<1000x128xf32, #tpu.memory_space<vmem_shared>>
        tpu.enqueue_indirect_dma source(%dma_start3A_287 : memref<1000x128xf32, #tpu.memory_space<vmem_shared>>) target(%arg12 : memref<64x128xf32, #tpu.memory_space<vmem>>) offsets(%dma_start3A_284 : memref<64xi32, #tpu.memory_space<vmem>>) semaphore(%arg32 : memref<!tpu.dma_semaphore, #tpu.memory_space<semaphore_mem>>) {add = true}
      } else {
      }
      %dma_wait3A_105 = arith.constant 0 : i32
      %dma_wait3A_106 = arith.constant 0 : i32
      %dma_wait3A_107 = tpu.memref_slice %arg39[%dma_wait3A_105, %dma_wait3A_106] : memref<1000x128xf32, #tpu.memory_space<vmem_shared>> -> memref<64x128xf32, #tpu.memory_space<vmem_shared>>
      %dma_wait3A_108 = arith.constant 0 : i32
      %dma_wait3A_109 = arith.constant 0 : i32
      %dma_wait3A_110 = tpu.memref_slice %arg39[%dma_wait3A_108, %dma_wait3A_109] : memref<1000x128xf32, #tpu.memory_space<vmem_shared>> -> memref<64x128xf32, #tpu.memory_space<vmem_shared>>
      tpu.wait_dma2 semaphore(%arg31 : memref<!tpu.dma_semaphore, #tpu.memory_space<semaphore_mem>>) src(%dma_wait3A_110 : memref<64x128xf32, #tpu.memory_space<vmem_shared>>) dst(%arg11 : memref<64x128xf32, #tpu.memory_space<vmem>>)
      %mul3A_111 = arith.constant 64 : i32
      %mul3A_112 = arith.muli %add3A_98, %mul3A_111 : i32
      %dma_wait3A_113 = tpu.memref_slice %arg10[%mul3A_112] : memref<512xi32, #tpu.memory_space<vmem>> -> memref<64xi32, #tpu.memory_space<vmem>>
      %dma_wait3A_114 = arith.constant 0 : i32
      %dma_wait3A_115 = arith.constant 0 : i32
      %dma_wait3A_116 = tpu.memref_slice %arg5[%dma_wait3A_114, %dma_wait3A_115] : memref<100000x128xf32, #tpu.memory_space<hbm>> -> memref<100000x128xf32, #tpu.memory_space<hbm>>
      tpu.wait_indirect_dma semaphore(%arg27 : memref<!tpu.dma_semaphore, #tpu.memory_space<semaphore_mem>>) src(%dma_wait3A_116 : memref<100000x128xf32, #tpu.memory_space<hbm>>) dst(%arg15 : memref<64x128xf32, #tpu.memory_space<vmem>>)
      %gt3A = arith.constant 0 : i32
      %gt3A_117 = arith.cmpi sgt, %scan3A_94, %gt3A : i32
      %convert_element_type3A_118 = arith.extui %gt3A_117 : i1 to i32
      %cond3A_119 = arith.constant 0 : i32
      %cond3A_120 = arith.cmpi ne, %convert_element_type3A_118, %cond3A_119 : i32
      scf.if %cond3A_120 {
        %mul3A_272 = arith.constant 64 : i32
        %mul3A_273 = arith.muli %add3A_98, %mul3A_272 : i32
        %add3A_274 = arith.addi %mul3A_2, %mul3A_273 : i32
        %dma_wait3A_275 = arith.constant 0 : i32
        %dma_wait3A_276 = tpu.memref_slice %arg7[%add3A_274, %dma_wait3A_275] : memref<16384x128xf32, #tpu.memory_space<hbm>> -> memref<64x128xf32, #tpu.memory_space<hbm>>
        %dma_wait3A_277 = arith.constant 0 : i32
        %dma_wait3A_278 = tpu.memref_slice %arg7[%add3A_274, %dma_wait3A_277] : memref<16384x128xf32, #tpu.memory_space<hbm>> -> memref<64x128xf32, #tpu.memory_space<hbm>>
        tpu.wait_dma2 semaphore(%arg35 : memref<!tpu.dma_semaphore, #tpu.memory_space<semaphore_mem>>) src(%arg19 : memref<64x128xf32, #tpu.memory_space<vmem>>) dst(%dma_wait3A_278 : memref<64x128xf32, #tpu.memory_space<hbm>>)
      } else {
      }
      %parallel_loop3A = arith.constant 0 : i32
      %parallel_loop3A_121 = arith.constant 64 : i32
      %parallel_loop3A_122 = arith.constant 1 : i32
      scf.for %parallel_loop3A_272 = %parallel_loop3A to %parallel_loop3A_121 step %parallel_loop3A_122  : i32 {
        %parallel_loop3A_273 = arith.index_cast %parallel_loop3A_272 : i32 to index
        %parallel_loop3A_274 = arith.constant 0 : index
        %parallel_loop3A_275 = tpu.vector_load %arg11[%parallel_loop3A_273, %parallel_loop3A_274] {strides = array<i32>} : memref<64x128xf32, #tpu.memory_space<vmem>>, vector<1x16xf32>,
        %parallel_loop3A_276 = vector.shape_cast %parallel_loop3A_275 : vector<1x16xf32> to vector<16xf32>
        %parallel_loop3A_277 = arith.index_cast %parallel_loop3A_272 : i32 to index
        %parallel_loop3A_278 = arith.constant 0 : index
        %parallel_loop3A_279 = tpu.vector_load %arg15[%parallel_loop3A_277, %parallel_loop3A_278] {strides = array<i32>} : memref<64x128xf32, #tpu.memory_space<vmem>>, vector<1x16xf32>,
        %parallel_loop3A_280 = vector.shape_cast %parallel_loop3A_279 : vector<1x16xf32> to vector<16xf32>
        %parallel_loop3A_281 = arith.subf %parallel_loop3A_276, %parallel_loop3A_280 : vector<16xf32>
        %parallel_loop3A_282 = arith.index_cast %parallel_loop3A_272 : i32 to index
        %parallel_loop3A_283 = arith.constant 0 : index
        %parallel_loop3A_284 = tpu.vector_load %arg19[%parallel_loop3A_282, %parallel_loop3A_283] {strides = array<i32>} : memref<64x128xf32, #tpu.memory_space<vmem>>, vector<1x16xf32>,
        %parallel_loop3A_285 = vector.shape_cast %parallel_loop3A_284 : vector<1x16xf32> to vector<16xf32>
        %parallel_loop3A_286 = vector.shape_cast %parallel_loop3A_281 : vector<16xf32> to vector<1x16xf32>
        tpu.vector_store %arg19[%parallel_loop3A_282, %parallel_loop3A_283], %parallel_loop3A_286 {strides = array<i32>} : memref<64x128xf32, #tpu.memory_space<vmem>>, vector<1x16xf32>,
        %parallel_loop3A_287 = arith.index_cast %parallel_loop3A_272 : i32 to index
        %parallel_loop3A_288 = arith.constant 16 : index
        %parallel_loop3A_289 = tpu.vector_load %arg11[%parallel_loop3A_287, %parallel_loop3A_288] {strides = array<i32>} : memref<64x128xf32, #tpu.memory_space<vmem>>, vector<1x16xf32>,
        %parallel_loop3A_290 = vector.shape_cast %parallel_loop3A_289 : vector<1x16xf32> to vector<16xf32>
        %parallel_loop3A_291 = arith.index_cast %parallel_loop3A_272 : i32 to index
        %parallel_loop3A_292 = arith.constant 16 : index
        %parallel_loop3A_293 = tpu.vector_load %arg15[%parallel_loop3A_291, %parallel_loop3A_292] {strides = array<i32>} : memref<64x128xf32, #tpu.memory_space<vmem>>, vector<1x16xf32>,
        %parallel_loop3A_294 = vector.shape_cast %parallel_loop3A_293 : vector<1x16xf32> to vector<16xf32>
        %parallel_loop3A_295 = arith.subf %parallel_loop3A_290, %parallel_loop3A_294 : vector<16xf32>
        %parallel_loop3A_296 = arith.index_cast %parallel_loop3A_272 : i32 to index
        %parallel_loop3A_297 = arith.constant 16 : index
        %parallel_loop3A_298 = tpu.vector_load %arg19[%parallel_loop3A_296, %parallel_loop3A_297] {strides = array<i32>} : memref<64x128xf32, #tpu.memory_space<vmem>>, vector<1x16xf32>,
        %parallel_loop3A_299 = vector.shape_cast %parallel_loop3A_298 : vector<1x16xf32> to vector<16xf32>
        %parallel_loop3A_300 = vector.shape_cast %parallel_loop3A_295 : vector<16xf32> to vector<1x16xf32>
        tpu.vector_store %arg19[%parallel_loop3A_296, %parallel_loop3A_297], %parallel_loop3A_300 {strides = array<i32>} : memref<64x128xf32, #tpu.memory_space<vmem>>, vector<1x16xf32>,
        %parallel_loop3A_301 = arith.index_cast %parallel_loop3A_272 : i32 to index
        %parallel_loop3A_302 = arith.constant 32 : index
        %parallel_loop3A_303 = tpu.vector_load %arg11[%parallel_loop3A_301, %parallel_loop3A_302] {strides = array<i32>} : memref<64x128xf32, #tpu.memory_space<vmem>>, vector<1x16xf32>,
        %parallel_loop3A_304 = vector.shape_cast %parallel_loop3A_303 : vector<1x16xf32> to vector<16xf32>
        %parallel_loop3A_305 = arith.index_cast %parallel_loop3A_272 : i32 to index
        %parallel_loop3A_306 = arith.constant 32 : index
        %parallel_loop3A_307 = tpu.vector_load %arg15[%parallel_loop3A_305, %parallel_loop3A_306] {strides = array<i32>} : memref<64x128xf32, #tpu.memory_space<vmem>>, vector<1x16xf32>,
        %parallel_loop3A_308 = vector.shape_cast %parallel_loop3A_307 : vector<1x16xf32> to vector<16xf32>
        %parallel_loop3A_309 = arith.subf %parallel_loop3A_304, %parallel_loop3A_308 : vector<16xf32>
        %parallel_loop3A_310 = arith.index_cast %parallel_loop3A_272 : i32 to index
        %parallel_loop3A_311 = arith.constant 32 : index
        %parallel_loop3A_312 = tpu.vector_load %arg19[%parallel_loop3A_310, %parallel_loop3A_311] {strides = array<i32>} : memref<64x128xf32, #tpu.memory_space<vmem>>, vector<1x16xf32>,
        %parallel_loop3A_313 = vector.shape_cast %parallel_loop3A_312 : vector<1x16xf32> to vector<16xf32>
        %parallel_loop3A_314 = vector.shape_cast %parallel_loop3A_309 : vector<16xf32> to vector<1x16xf32>
        tpu.vector_store %arg19[%parallel_loop3A_310, %parallel_loop3A_311], %parallel_loop3A_314 {strides = array<i32>} : memref<64x128xf32, #tpu.memory_space<vmem>>, vector<1x16xf32>,
        %parallel_loop3A_315 = arith.index_cast %parallel_loop3A_272 : i32 to index
        %parallel_loop3A_316 = arith.constant 48 : index
        %parallel_loop3A_317 = tpu.vector_load %arg11[%parallel_loop3A_315, %parallel_loop3A_316] {strides = array<i32>} : memref<64x128xf32, #tpu.memory_space<vmem>>, vector<1x16xf32>,
        %parallel_loop3A_318 = vector.shape_cast %parallel_loop3A_317 : vector<1x16xf32> to vector<16xf32>
        %parallel_loop3A_319 = arith.index_cast %parallel_loop3A_272 : i32 to index
        %parallel_loop3A_320 = arith.constant 48 : index
        %parallel_loop3A_321 = tpu.vector_load %arg15[%parallel_loop3A_319, %parallel_loop3A_320] {strides = array<i32>} : memref<64x128xf32, #tpu.memory_space<vmem>>, vector<1x16xf32>,
        %parallel_loop3A_322 = vector.shape_cast %parallel_loop3A_321 : vector<1x16xf32> to vector<16xf32>
        %parallel_loop3A_323 = arith.subf %parallel_loop3A_318, %parallel_loop3A_322 : vector<16xf32>
        %parallel_loop3A_324 = arith.index_cast %parallel_loop3A_272 : i32 to index
        %parallel_loop3A_325 = arith.constant 48 : index
        %parallel_loop3A_326 = tpu.vector_load %arg19[%parallel_loop3A_324, %parallel_loop3A_325] {strides = array<i32>} : memref<64x128xf32, #tpu.memory_space<vmem>>, vector<1x16xf32>,
        %parallel_loop3A_327 = vector.shape_cast %parallel_loop3A_326 : vector<1x16xf32> to vector<16xf32>
        %parallel_loop3A_328 = vector.shape_cast %parallel_loop3A_323 : vector<16xf32> to vector<1x16xf32>
        tpu.vector_store %arg19[%parallel_loop3A_324, %parallel_loop3A_325], %parallel_loop3A_328 {strides = array<i32>} : memref<64x128xf32, #tpu.memory_space<vmem>>, vector<1x16xf32>,
        %parallel_loop3A_329 = arith.index_cast %parallel_loop3A_272 : i32 to index
        %parallel_loop3A_330 = arith.constant 64 : index
        %parallel_loop3A_331 = tpu.vector_load %arg11[%parallel_loop3A_329, %parallel_loop3A_330] {strides = array<i32>} : memref<64x128xf32, #tpu.memory_space<vmem>>, vector<1x16xf32>,
        %parallel_loop3A_332 = vector.shape_cast %parallel_loop3A_331 : vector<1x16xf32> to vector<16xf32>
        %parallel_loop3A_333 = arith.index_cast %parallel_loop3A_272 : i32 to index
        %parallel_loop3A_334 = arith.constant 64 : index
        %parallel_loop3A_335 = tpu.vector_load %arg15[%parallel_loop3A_333, %parallel_loop3A_334] {strides = array<i32>} : memref<64x128xf32, #tpu.memory_space<vmem>>, vector<1x16xf32>,
        %parallel_loop3A_336 = vector.shape_cast %parallel_loop3A_335 : vector<1x16xf32> to vector<16xf32>
        %parallel_loop3A_337 = arith.subf %parallel_loop3A_332, %parallel_loop3A_336 : vector<16xf32>
        %parallel_loop3A_338 = arith.index_cast %parallel_loop3A_272 : i32 to index
        %parallel_loop3A_339 = arith.constant 64 : index
        %parallel_loop3A_340 = tpu.vector_load %arg19[%parallel_loop3A_338, %parallel_loop3A_339] {strides = array<i32>} : memref<64x128xf32, #tpu.memory_space<vmem>>, vector<1x16xf32>,
        %parallel_loop3A_341 = vector.shape_cast %parallel_loop3A_340 : vector<1x16xf32> to vector<16xf32>
        %parallel_loop3A_342 = vector.shape_cast %parallel_loop3A_337 : vector<16xf32> to vector<1x16xf32>
        tpu.vector_store %arg19[%parallel_loop3A_338, %parallel_loop3A_339], %parallel_loop3A_342 {strides = array<i32>} : memref<64x128xf32, #tpu.memory_space<vmem>>, vector<1x16xf32>,
        %parallel_loop3A_343 = arith.index_cast %parallel_loop3A_272 : i32 to index
        %parallel_loop3A_344 = arith.constant 80 : index
        %parallel_loop3A_345 = tpu.vector_load %arg11[%parallel_loop3A_343, %parallel_loop3A_344] {strides = array<i32>} : memref<64x128xf32, #tpu.memory_space<vmem>>, vector<1x16xf32>,
        %parallel_loop3A_346 = vector.shape_cast %parallel_loop3A_345 : vector<1x16xf32> to vector<16xf32>
        %parallel_loop3A_347 = arith.index_cast %parallel_loop3A_272 : i32 to index
        %parallel_loop3A_348 = arith.constant 80 : index
        %parallel_loop3A_349 = tpu.vector_load %arg15[%parallel_loop3A_347, %parallel_loop3A_348] {strides = array<i32>} : memref<64x128xf32, #tpu.memory_space<vmem>>, vector<1x16xf32>,
        %parallel_loop3A_350 = vector.shape_cast %parallel_loop3A_349 : vector<1x16xf32> to vector<16xf32>
        %parallel_loop3A_351 = arith.subf %parallel_loop3A_346, %parallel_loop3A_350 : vector<16xf32>
        %parallel_loop3A_352 = arith.index_cast %parallel_loop3A_272 : i32 to index
        %parallel_loop3A_353 = arith.constant 80 : index
        %parallel_loop3A_354 = tpu.vector_load %arg19[%parallel_loop3A_352, %parallel_loop3A_353] {strides = array<i32>} : memref<64x128xf32, #tpu.memory_space<vmem>>, vector<1x16xf32>,
        %parallel_loop3A_355 = vector.shape_cast %parallel_loop3A_354 : vector<1x16xf32> to vector<16xf32>
        %parallel_loop3A_356 = vector.shape_cast %parallel_loop3A_351 : vector<16xf32> to vector<1x16xf32>
        tpu.vector_store %arg19[%parallel_loop3A_352, %parallel_loop3A_353], %parallel_loop3A_356 {strides = array<i32>} : memref<64x128xf32, #tpu.memory_space<vmem>>, vector<1x16xf32>,
        %parallel_loop3A_357 = arith.index_cast %parallel_loop3A_272 : i32 to index
        %parallel_loop3A_358 = arith.constant 96 : index
        %parallel_loop3A_359 = tpu.vector_load %arg11[%parallel_loop3A_357, %parallel_loop3A_358] {strides = array<i32>} : memref<64x128xf32, #tpu.memory_space<vmem>>, vector<1x16xf32>,
        %parallel_loop3A_360 = vector.shape_cast %parallel_loop3A_359 : vector<1x16xf32> to vector<16xf32>
        %parallel_loop3A_361 = arith.index_cast %parallel_loop3A_272 : i32 to index
        %parallel_loop3A_362 = arith.constant 96 : index
        %parallel_loop3A_363 = tpu.vector_load %arg15[%parallel_loop3A_361, %parallel_loop3A_362] {strides = array<i32>} : memref<64x128xf32, #tpu.memory_space<vmem>>, vector<1x16xf32>,
        %parallel_loop3A_364 = vector.shape_cast %parallel_loop3A_363 : vector<1x16xf32> to vector<16xf32>
        %parallel_loop3A_365 = arith.subf %parallel_loop3A_360, %parallel_loop3A_364 : vector<16xf32>
        %parallel_loop3A_366 = arith.index_cast %parallel_loop3A_272 : i32 to index
        %parallel_loop3A_367 = arith.constant 96 : index
        %parallel_loop3A_368 = tpu.vector_load %arg19[%parallel_loop3A_366, %parallel_loop3A_367] {strides = array<i32>} : memref<64x128xf32, #tpu.memory_space<vmem>>, vector<1x16xf32>,
        %parallel_loop3A_369 = vector.shape_cast %parallel_loop3A_368 : vector<1x16xf32> to vector<16xf32>
        %parallel_loop3A_370 = vector.shape_cast %parallel_loop3A_365 : vector<16xf32> to vector<1x16xf32>
        tpu.vector_store %arg19[%parallel_loop3A_366, %parallel_loop3A_367], %parallel_loop3A_370 {strides = array<i32>} : memref<64x128xf32, #tpu.memory_space<vmem>>, vector<1x16xf32>,
        %parallel_loop3A_371 = arith.index_cast %parallel_loop3A_272 : i32 to index
        %parallel_loop3A_372 = arith.constant 112 : index
        %parallel_loop3A_373 = tpu.vector_load %arg11[%parallel_loop3A_371, %parallel_loop3A_372] {strides = array<i32>} : memref<64x128xf32, #tpu.memory_space<vmem>>, vector<1x16xf32>,
        %parallel_loop3A_374 = vector.shape_cast %parallel_loop3A_373 : vector<1x16xf32> to vector<16xf32>
        %parallel_loop3A_375 = arith.index_cast %parallel_loop3A_272 : i32 to index
        %parallel_loop3A_376 = arith.constant 112 : index
        %parallel_loop3A_377 = tpu.vector_load %arg15[%parallel_loop3A_375, %parallel_loop3A_376] {strides = array<i32>} : memref<64x128xf32, #tpu.memory_space<vmem>>, vector<1x16xf32>,
        %parallel_loop3A_378 = vector.shape_cast %parallel_loop3A_377 : vector<1x16xf32> to vector<16xf32>
        %parallel_loop3A_379 = arith.subf %parallel_loop3A_374, %parallel_loop3A_378 : vector<16xf32>
        %parallel_loop3A_380 = arith.index_cast %parallel_loop3A_272 : i32 to index
        %parallel_loop3A_381 = arith.constant 112 : index
        %parallel_loop3A_382 = tpu.vector_load %arg19[%parallel_loop3A_380, %parallel_loop3A_381] {strides = array<i32>} : memref<64x128xf32, #tpu.memory_space<vmem>>, vector<1x16xf32>,
        %parallel_loop3A_383 = vector.shape_cast %parallel_loop3A_382 : vector<1x16xf32> to vector<16xf32>
        %parallel_loop3A_384 = vector.shape_cast %parallel_loop3A_379 : vector<16xf32> to vector<1x16xf32>
        tpu.vector_store %arg19[%parallel_loop3A_380, %parallel_loop3A_381], %parallel_loop3A_384 {strides = array<i32>} : memref<64x128xf32, #tpu.memory_space<vmem>>, vector<1x16xf32>,
      } {sc.loop_unroll_factor = 4 : i64, sc.parallel_access}
      %mul3A_123 = arith.constant 64 : i32
      %mul3A_124 = arith.muli %add3A_98, %mul3A_123 : i32
      %add3A_125 = arith.addi %mul3A_2, %mul3A_124 : i32
      %dma_start3A_126 = arith.constant 0 : i32
      %dma_start3A_127 = tpu.memref_slice %arg7[%add3A_125, %dma_start3A_126] : memref<16384x128xf32, #tpu.memory_space<hbm>> -> memref<64x128xf32, #tpu.memory_space<hbm>>
      %dma_start3A_128 = arith.constant 0 : i32
      %dma_start3A_129 = tpu.memref_slice %arg7[%add3A_125, %dma_start3A_128] : memref<16384x128xf32, #tpu.memory_space<hbm>> -> memref<64x128xf32, #tpu.memory_space<hbm>>
      tpu.enqueue_dma source(%arg19 : memref<64x128xf32, #tpu.memory_space<vmem>>) target(%dma_start3A_129 : memref<64x128xf32, #tpu.memory_space<hbm>>) target_semaphore(%arg35 : memref<!tpu.dma_semaphore, #tpu.memory_space<semaphore_mem>>)
      %add3A_130 = arith.constant 1 : i32
      %add3A_131 = arith.addi %scan3A_94, %add3A_130 : i32
      %lt3A_132 = arith.constant 2 : i32
      %lt3A_133 = arith.cmpi slt, %add3A_131, %lt3A_132 : i32
      %convert_element_type3A_134 = arith.extui %lt3A_133 : i1 to i32
      %cond3A_135 = arith.constant 0 : i32
      %cond3A_136 = arith.cmpi ne, %convert_element_type3A_134, %cond3A_135 : i32
      scf.if %cond3A_136 {
        %add3A_272 = arith.constant 4 : i32
        %add3A_273 = arith.addi %add3A_98, %add3A_272 : i32
        %mul3A_274 = arith.constant 64 : i32
        %mul3A_275 = arith.muli %add3A_273, %mul3A_274 : i32
        %dma_start3A_276 = tpu.memref_slice %arg8[%mul3A_275] : memref<512xi32, #tpu.memory_space<vmem>> -> memref<64xi32, #tpu.memory_space<vmem>>
        %dma_start3A_277 = arith.constant 0 : i32
        %dma_start3A_278 = arith.constant 0 : i32
        %dma_start3A_279 = tpu.memref_slice %arg5[%dma_start3A_277, %dma_start3A_278] : memref<100000x128xf32, #tpu.memory_space<hbm>> -> memref<100000x128xf32, #tpu.memory_space<hbm>>
        tpu.enqueue_indirect_dma source(%dma_start3A_279 : memref<100000x128xf32, #tpu.memory_space<hbm>>) target(%arg11 : memref<64x128xf32, #tpu.memory_space<vmem>>) offsets(%dma_start3A_276 : memref<64xi32, #tpu.memory_space<vmem>>) semaphore(%arg23 : memref<!tpu.dma_semaphore, #tpu.memory_space<semaphore_mem>>)
        %add3A_280 = arith.constant 4 : i32
        %add3A_281 = arith.addi %add3A_98, %add3A_280 : i32
        %mul3A_282 = arith.constant 64 : i32
        %mul3A_283 = arith.muli %add3A_281, %mul3A_282 : i32
        %dma_start3A_284 = tpu.memref_slice %arg10[%mul3A_283] : memref<512xi32, #tpu.memory_space<vmem>> -> memref<64xi32, #tpu.memory_space<vmem>>
        %dma_start3A_285 = arith.constant 0 : i32
        %dma_start3A_286 = arith.constant 0 : i32
        %dma_start3A_287 = tpu.memref_slice %arg5[%dma_start3A_285, %dma_start3A_286] : memref<100000x128xf32, #tpu.memory_space<hbm>> -> memref<100000x128xf32, #tpu.memory_space<hbm>>
        tpu.enqueue_indirect_dma source(%dma_start3A_287 : memref<100000x128xf32, #tpu.memory_space<hbm>>) target(%arg15 : memref<64x128xf32, #tpu.memory_space<vmem>>) offsets(%dma_start3A_284 : memref<64xi32, #tpu.memory_space<vmem>>) semaphore(%arg27 : memref<!tpu.dma_semaphore, #tpu.memory_space<semaphore_mem>>)
      } else {
      }
      %mul3A_137 = arith.constant 4 : i32
      %mul3A_138 = arith.muli %scan3A_94, %mul3A_137 : i32
      %add3A_139 = arith.constant 1 : i32
      %add3A_140 = arith.addi %mul3A_138, %add3A_139 : i32
      %add3A_141 = arith.constant 1 : i32
      %add3A_142 = arith.addi %add3A_140, %add3A_141 : i32
      %lt3A_143 = arith.constant 8 : i32
      %lt3A_144 = arith.cmpi slt, %add3A_142, %lt3A_143 : i32
      %convert_element_type3A_145 = arith.extui %lt3A_144 : i1 to i32
      %cond3A_146 = arith.constant 0 : i32
      %cond3A_147 = arith.cmpi ne, %convert_element_type3A_145, %cond3A_146 : i32
      scf.if %cond3A_147 {
        %add3A_272 = arith.constant 1 : i32
        %add3A_273 = arith.addi %add3A_140, %add3A_272 : i32
        %mul3A_274 = arith.constant 64 : i32
        %mul3A_275 = arith.muli %add3A_273, %mul3A_274 : i32
        %dma_wait3A_276 = tpu.memref_slice %arg8[%mul3A_275] : memref<512xi32, #tpu.memory_space<vmem>> -> memref<64xi32, #tpu.memory_space<vmem>>
        %dma_wait3A_277 = arith.constant 0 : i32
        %dma_wait3A_278 = arith.constant 0 : i32
        %dma_wait3A_279 = tpu.memref_slice %arg5[%dma_wait3A_277, %dma_wait3A_278] : memref<100000x128xf32, #tpu.memory_space<hbm>> -> memref<100000x128xf32, #tpu.memory_space<hbm>>
        tpu.wait_indirect_dma semaphore(%arg25 : memref<!tpu.dma_semaphore, #tpu.memory_space<semaphore_mem>>) src(%dma_wait3A_279 : memref<100000x128xf32, #tpu.memory_space<hbm>>) dst(%arg13 : memref<64x128xf32, #tpu.memory_space<vmem>>)
        %add3A_280 = arith.constant 1 : i32
        %add3A_281 = arith.addi %add3A_140, %add3A_280 : i32
        %mul3A_282 = arith.constant 64 : i32
        %mul3A_283 = arith.muli %add3A_281, %mul3A_282 : i32
        %dma_start3A_284 = tpu.memref_slice %arg9[%mul3A_283] : memref<512xi32, #tpu.memory_space<vmem>> -> memref<64xi32, #tpu.memory_space<vmem>>
        %dma_start3A_285 = arith.constant 0 : i32
        %dma_start3A_286 = arith.constant 0 : i32
        %dma_start3A_287 = tpu.memref_slice %arg39[%dma_start3A_285, %dma_start3A_286] : memref<1000x128xf32, #tpu.memory_space<vmem_shared>> -> memref<1000x128xf32, #tpu.memory_space<vmem_shared>>
        tpu.enqueue_indirect_dma source(%dma_start3A_287 : memref<1000x128xf32, #tpu.memory_space<vmem_shared>>) target(%arg13 : memref<64x128xf32, #tpu.memory_space<vmem>>) offsets(%dma_start3A_284 : memref<64xi32, #tpu.memory_space<vmem>>) semaphore(%arg33 : memref<!tpu.dma_semaphore, #tpu.memory_space<semaphore_mem>>) {add = true}
      } else {
      }
      %dma_wait3A_148 = arith.constant 0 : i32
      %dma_wait3A_149 = arith.constant 0 : i32
      %dma_wait3A_150 = tpu.memref_slice %arg39[%dma_wait3A_148, %dma_wait3A_149] : memref<1000x128xf32, #tpu.memory_space<vmem_shared>> -> memref<64x128xf32, #tpu.memory_space<vmem_shared>>
      %dma_wait3A_151 = arith.constant 0 : i32
      %dma_wait3A_152 = arith.constant 0 : i32
      %dma_wait3A_153 = tpu.memref_slice %arg39[%dma_wait3A_151, %dma_wait3A_152] : memref<1000x128xf32, #tpu.memory_space<vmem_shared>> -> memref<64x128xf32, #tpu.memory_space<vmem_shared>>
      tpu.wait_dma2 semaphore(%arg32 : memref<!tpu.dma_semaphore, #tpu.memory_space<semaphore_mem>>) src(%dma_wait3A_153 : memref<64x128xf32, #tpu.memory_space<vmem_shared>>) dst(%arg12 : memref<64x128xf32, #tpu.memory_space<vmem>>)
      %mul3A_154 = arith.constant 64 : i32
      %mul3A_155 = arith.muli %add3A_140, %mul3A_154 : i32
      %dma_wait3A_156 = tpu.memref_slice %arg10[%mul3A_155] : memref<512xi32, #tpu.memory_space<vmem>> -> memref<64xi32, #tpu.memory_space<vmem>>
      %dma_wait3A_157 = arith.constant 0 : i32
      %dma_wait3A_158 = arith.constant 0 : i32
      %dma_wait3A_159 = tpu.memref_slice %arg5[%dma_wait3A_157, %dma_wait3A_158] : memref<100000x128xf32, #tpu.memory_space<hbm>> -> memref<100000x128xf32, #tpu.memory_space<hbm>>
      tpu.wait_indirect_dma semaphore(%arg28 : memref<!tpu.dma_semaphore, #tpu.memory_space<semaphore_mem>>) src(%dma_wait3A_159 : memref<100000x128xf32, #tpu.memory_space<hbm>>) dst(%arg16 : memref<64x128xf32, #tpu.memory_space<vmem>>)
      %gt3A_160 = arith.constant 0 : i32
      %gt3A_161 = arith.cmpi sgt, %scan3A_94, %gt3A_160 : i32
      %convert_element_type3A_162 = arith.extui %gt3A_161 : i1 to i32
      %cond3A_163 = arith.constant 0 : i32
      %cond3A_164 = arith.cmpi ne, %convert_element_type3A_162, %cond3A_163 : i32
      scf.if %cond3A_164 {
        %mul3A_272 = arith.constant 64 : i32
        %mul3A_273 = arith.muli %add3A_140, %mul3A_272 : i32
        %add3A_274 = arith.addi %mul3A_2, %mul3A_273 : i32
        %dma_wait3A_275 = arith.constant 0 : i32
        %dma_wait3A_276 = tpu.memref_slice %arg7[%add3A_274, %dma_wait3A_275] : memref<16384x128xf32, #tpu.memory_space<hbm>> -> memref<64x128xf32, #tpu.memory_space<hbm>>
        %dma_wait3A_277 = arith.constant 0 : i32
        %dma_wait3A_278 = tpu.memref_slice %arg7[%add3A_274, %dma_wait3A_277] : memref<16384x128xf32, #tpu.memory_space<hbm>> -> memref<64x128xf32, #tpu.memory_space<hbm>>
        tpu.wait_dma2 semaphore(%arg36 : memref<!tpu.dma_semaphore, #tpu.memory_space<semaphore_mem>>) src(%arg20 : memref<64x128xf32, #tpu.memory_space<vmem>>) dst(%dma_wait3A_278 : memref<64x128xf32, #tpu.memory_space<hbm>>)
      } else {
      }
      %parallel_loop3A_165 = arith.constant 0 : i32
      %parallel_loop3A_166 = arith.constant 64 : i32
      %parallel_loop3A_167 = arith.constant 1 : i32
      scf.for %parallel_loop3A_272 = %parallel_loop3A_165 to %parallel_loop3A_166 step %parallel_loop3A_167  : i32 {
        %parallel_loop3A_273 = arith.index_cast %parallel_loop3A_272 : i32 to index
        %parallel_loop3A_274 = arith.constant 0 : index
        %parallel_loop3A_275 = tpu.vector_load %arg12[%parallel_loop3A_273, %parallel_loop3A_274] {strides = array<i32>} : memref<64x128xf32, #tpu.memory_space<vmem>>, vector<1x16xf32>,
        %parallel_loop3A_276 = vector.shape_cast %parallel_loop3A_275 : vector<1x16xf32> to vector<16xf32>
        %parallel_loop3A_277 = arith.index_cast %parallel_loop3A_272 : i32 to index
        %parallel_loop3A_278 = arith.constant 0 : index
        %parallel_loop3A_279 = tpu.vector_load %arg16[%parallel_loop3A_277, %parallel_loop3A_278] {strides = array<i32>} : memref<64x128xf32, #tpu.memory_space<vmem>>, vector<1x16xf32>,
        %parallel_loop3A_280 = vector.shape_cast %parallel_loop3A_279 : vector<1x16xf32> to vector<16xf32>
        %parallel_loop3A_281 = arith.subf %parallel_loop3A_276, %parallel_loop3A_280 : vector<16xf32>
        %parallel_loop3A_282 = arith.index_cast %parallel_loop3A_272 : i32 to index
        %parallel_loop3A_283 = arith.constant 0 : index
        %parallel_loop3A_284 = tpu.vector_load %arg20[%parallel_loop3A_282, %parallel_loop3A_283] {strides = array<i32>} : memref<64x128xf32, #tpu.memory_space<vmem>>, vector<1x16xf32>,
        %parallel_loop3A_285 = vector.shape_cast %parallel_loop3A_284 : vector<1x16xf32> to vector<16xf32>
        %parallel_loop3A_286 = vector.shape_cast %parallel_loop3A_281 : vector<16xf32> to vector<1x16xf32>
        tpu.vector_store %arg20[%parallel_loop3A_282, %parallel_loop3A_283], %parallel_loop3A_286 {strides = array<i32>} : memref<64x128xf32, #tpu.memory_space<vmem>>, vector<1x16xf32>,
        %parallel_loop3A_287 = arith.index_cast %parallel_loop3A_272 : i32 to index
        %parallel_loop3A_288 = arith.constant 16 : index
        %parallel_loop3A_289 = tpu.vector_load %arg12[%parallel_loop3A_287, %parallel_loop3A_288] {strides = array<i32>} : memref<64x128xf32, #tpu.memory_space<vmem>>, vector<1x16xf32>,
        %parallel_loop3A_290 = vector.shape_cast %parallel_loop3A_289 : vector<1x16xf32> to vector<16xf32>
        %parallel_loop3A_291 = arith.index_cast %parallel_loop3A_272 : i32 to index
        %parallel_loop3A_292 = arith.constant 16 : index
        %parallel_loop3A_293 = tpu.vector_load %arg16[%parallel_loop3A_291, %parallel_loop3A_292] {strides = array<i32>} : memref<64x128xf32, #tpu.memory_space<vmem>>, vector<1x16xf32>,
        %parallel_loop3A_294 = vector.shape_cast %parallel_loop3A_293 : vector<1x16xf32> to vector<16xf32>
        %parallel_loop3A_295 = arith.subf %parallel_loop3A_290, %parallel_loop3A_294 : vector<16xf32>
        %parallel_loop3A_296 = arith.index_cast %parallel_loop3A_272 : i32 to index
        %parallel_loop3A_297 = arith.constant 16 : index
        %parallel_loop3A_298 = tpu.vector_load %arg20[%parallel_loop3A_296, %parallel_loop3A_297] {strides = array<i32>} : memref<64x128xf32, #tpu.memory_space<vmem>>, vector<1x16xf32>,
        %parallel_loop3A_299 = vector.shape_cast %parallel_loop3A_298 : vector<1x16xf32> to vector<16xf32>
        %parallel_loop3A_300 = vector.shape_cast %parallel_loop3A_295 : vector<16xf32> to vector<1x16xf32>
        tpu.vector_store %arg20[%parallel_loop3A_296, %parallel_loop3A_297], %parallel_loop3A_300 {strides = array<i32>} : memref<64x128xf32, #tpu.memory_space<vmem>>, vector<1x16xf32>,
        %parallel_loop3A_301 = arith.index_cast %parallel_loop3A_272 : i32 to index
        %parallel_loop3A_302 = arith.constant 32 : index
        %parallel_loop3A_303 = tpu.vector_load %arg12[%parallel_loop3A_301, %parallel_loop3A_302] {strides = array<i32>} : memref<64x128xf32, #tpu.memory_space<vmem>>, vector<1x16xf32>,
        %parallel_loop3A_304 = vector.shape_cast %parallel_loop3A_303 : vector<1x16xf32> to vector<16xf32>
        %parallel_loop3A_305 = arith.index_cast %parallel_loop3A_272 : i32 to index
        %parallel_loop3A_306 = arith.constant 32 : index
        %parallel_loop3A_307 = tpu.vector_load %arg16[%parallel_loop3A_305, %parallel_loop3A_306] {strides = array<i32>} : memref<64x128xf32, #tpu.memory_space<vmem>>, vector<1x16xf32>,
        %parallel_loop3A_308 = vector.shape_cast %parallel_loop3A_307 : vector<1x16xf32> to vector<16xf32>
        %parallel_loop3A_309 = arith.subf %parallel_loop3A_304, %parallel_loop3A_308 : vector<16xf32>
        %parallel_loop3A_310 = arith.index_cast %parallel_loop3A_272 : i32 to index
        %parallel_loop3A_311 = arith.constant 32 : index
        %parallel_loop3A_312 = tpu.vector_load %arg20[%parallel_loop3A_310, %parallel_loop3A_311] {strides = array<i32>} : memref<64x128xf32, #tpu.memory_space<vmem>>, vector<1x16xf32>,
        %parallel_loop3A_313 = vector.shape_cast %parallel_loop3A_312 : vector<1x16xf32> to vector<16xf32>
        %parallel_loop3A_314 = vector.shape_cast %parallel_loop3A_309 : vector<16xf32> to vector<1x16xf32>
        tpu.vector_store %arg20[%parallel_loop3A_310, %parallel_loop3A_311], %parallel_loop3A_314 {strides = array<i32>} : memref<64x128xf32, #tpu.memory_space<vmem>>, vector<1x16xf32>,
        %parallel_loop3A_315 = arith.index_cast %parallel_loop3A_272 : i32 to index
        %parallel_loop3A_316 = arith.constant 48 : index
        %parallel_loop3A_317 = tpu.vector_load %arg12[%parallel_loop3A_315, %parallel_loop3A_316] {strides = array<i32>} : memref<64x128xf32, #tpu.memory_space<vmem>>, vector<1x16xf32>,
        %parallel_loop3A_318 = vector.shape_cast %parallel_loop3A_317 : vector<1x16xf32> to vector<16xf32>
        %parallel_loop3A_319 = arith.index_cast %parallel_loop3A_272 : i32 to index
        %parallel_loop3A_320 = arith.constant 48 : index
        %parallel_loop3A_321 = tpu.vector_load %arg16[%parallel_loop3A_319, %parallel_loop3A_320] {strides = array<i32>} : memref<64x128xf32, #tpu.memory_space<vmem>>, vector<1x16xf32>,
        %parallel_loop3A_322 = vector.shape_cast %parallel_loop3A_321 : vector<1x16xf32> to vector<16xf32>
        %parallel_loop3A_323 = arith.subf %parallel_loop3A_318, %parallel_loop3A_322 : vector<16xf32>
        %parallel_loop3A_324 = arith.index_cast %parallel_loop3A_272 : i32 to index
        %parallel_loop3A_325 = arith.constant 48 : index
        %parallel_loop3A_326 = tpu.vector_load %arg20[%parallel_loop3A_324, %parallel_loop3A_325] {strides = array<i32>} : memref<64x128xf32, #tpu.memory_space<vmem>>, vector<1x16xf32>,
        %parallel_loop3A_327 = vector.shape_cast %parallel_loop3A_326 : vector<1x16xf32> to vector<16xf32>
        %parallel_loop3A_328 = vector.shape_cast %parallel_loop3A_323 : vector<16xf32> to vector<1x16xf32>
        tpu.vector_store %arg20[%parallel_loop3A_324, %parallel_loop3A_325], %parallel_loop3A_328 {strides = array<i32>} : memref<64x128xf32, #tpu.memory_space<vmem>>, vector<1x16xf32>,
        %parallel_loop3A_329 = arith.index_cast %parallel_loop3A_272 : i32 to index
        %parallel_loop3A_330 = arith.constant 64 : index
        %parallel_loop3A_331 = tpu.vector_load %arg12[%parallel_loop3A_329, %parallel_loop3A_330] {strides = array<i32>} : memref<64x128xf32, #tpu.memory_space<vmem>>, vector<1x16xf32>,
        %parallel_loop3A_332 = vector.shape_cast %parallel_loop3A_331 : vector<1x16xf32> to vector<16xf32>
        %parallel_loop3A_333 = arith.index_cast %parallel_loop3A_272 : i32 to index
        %parallel_loop3A_334 = arith.constant 64 : index
        %parallel_loop3A_335 = tpu.vector_load %arg16[%parallel_loop3A_333, %parallel_loop3A_334] {strides = array<i32>} : memref<64x128xf32, #tpu.memory_space<vmem>>, vector<1x16xf32>,
        %parallel_loop3A_336 = vector.shape_cast %parallel_loop3A_335 : vector<1x16xf32> to vector<16xf32>
        %parallel_loop3A_337 = arith.subf %parallel_loop3A_332, %parallel_loop3A_336 : vector<16xf32>
        %parallel_loop3A_338 = arith.index_cast %parallel_loop3A_272 : i32 to index
        %parallel_loop3A_339 = arith.constant 64 : index
        %parallel_loop3A_340 = tpu.vector_load %arg20[%parallel_loop3A_338, %parallel_loop3A_339] {strides = array<i32>} : memref<64x128xf32, #tpu.memory_space<vmem>>, vector<1x16xf32>,
        %parallel_loop3A_341 = vector.shape_cast %parallel_loop3A_340 : vector<1x16xf32> to vector<16xf32>
        %parallel_loop3A_342 = vector.shape_cast %parallel_loop3A_337 : vector<16xf32> to vector<1x16xf32>
        tpu.vector_store %arg20[%parallel_loop3A_338, %parallel_loop3A_339], %parallel_loop3A_342 {strides = array<i32>} : memref<64x128xf32, #tpu.memory_space<vmem>>, vector<1x16xf32>,
        %parallel_loop3A_343 = arith.index_cast %parallel_loop3A_272 : i32 to index
        %parallel_loop3A_344 = arith.constant 80 : index
        %parallel_loop3A_345 = tpu.vector_load %arg12[%parallel_loop3A_343, %parallel_loop3A_344] {strides = array<i32>} : memref<64x128xf32, #tpu.memory_space<vmem>>, vector<1x16xf32>,
        %parallel_loop3A_346 = vector.shape_cast %parallel_loop3A_345 : vector<1x16xf32> to vector<16xf32>
        %parallel_loop3A_347 = arith.index_cast %parallel_loop3A_272 : i32 to index
        %parallel_loop3A_348 = arith.constant 80 : index
        %parallel_loop3A_349 = tpu.vector_load %arg16[%parallel_loop3A_347, %parallel_loop3A_348] {strides = array<i32>} : memref<64x128xf32, #tpu.memory_space<vmem>>, vector<1x16xf32>,
        %parallel_loop3A_350 = vector.shape_cast %parallel_loop3A_349 : vector<1x16xf32> to vector<16xf32>
        %parallel_loop3A_351 = arith.subf %parallel_loop3A_346, %parallel_loop3A_350 : vector<16xf32>
        %parallel_loop3A_352 = arith.index_cast %parallel_loop3A_272 : i32 to index
        %parallel_loop3A_353 = arith.constant 80 : index
        %parallel_loop3A_354 = tpu.vector_load %arg20[%parallel_loop3A_352, %parallel_loop3A_353] {strides = array<i32>} : memref<64x128xf32, #tpu.memory_space<vmem>>, vector<1x16xf32>,
        %parallel_loop3A_355 = vector.shape_cast %parallel_loop3A_354 : vector<1x16xf32> to vector<16xf32>
        %parallel_loop3A_356 = vector.shape_cast %parallel_loop3A_351 : vector<16xf32> to vector<1x16xf32>
        tpu.vector_store %arg20[%parallel_loop3A_352, %parallel_loop3A_353], %parallel_loop3A_356 {strides = array<i32>} : memref<64x128xf32, #tpu.memory_space<vmem>>, vector<1x16xf32>,
        %parallel_loop3A_357 = arith.index_cast %parallel_loop3A_272 : i32 to index
        %parallel_loop3A_358 = arith.constant 96 : index
        %parallel_loop3A_359 = tpu.vector_load %arg12[%parallel_loop3A_357, %parallel_loop3A_358] {strides = array<i32>} : memref<64x128xf32, #tpu.memory_space<vmem>>, vector<1x16xf32>,
        %parallel_loop3A_360 = vector.shape_cast %parallel_loop3A_359 : vector<1x16xf32> to vector<16xf32>
        %parallel_loop3A_361 = arith.index_cast %parallel_loop3A_272 : i32 to index
        %parallel_loop3A_362 = arith.constant 96 : index
        %parallel_loop3A_363 = tpu.vector_load %arg16[%parallel_loop3A_361, %parallel_loop3A_362] {strides = array<i32>} : memref<64x128xf32, #tpu.memory_space<vmem>>, vector<1x16xf32>,
        %parallel_loop3A_364 = vector.shape_cast %parallel_loop3A_363 : vector<1x16xf32> to vector<16xf32>
        %parallel_loop3A_365 = arith.subf %parallel_loop3A_360, %parallel_loop3A_364 : vector<16xf32>
        %parallel_loop3A_366 = arith.index_cast %parallel_loop3A_272 : i32 to index
        %parallel_loop3A_367 = arith.constant 96 : index
        %parallel_loop3A_368 = tpu.vector_load %arg20[%parallel_loop3A_366, %parallel_loop3A_367] {strides = array<i32>} : memref<64x128xf32, #tpu.memory_space<vmem>>, vector<1x16xf32>,
        %parallel_loop3A_369 = vector.shape_cast %parallel_loop3A_368 : vector<1x16xf32> to vector<16xf32>
        %parallel_loop3A_370 = vector.shape_cast %parallel_loop3A_365 : vector<16xf32> to vector<1x16xf32>
        tpu.vector_store %arg20[%parallel_loop3A_366, %parallel_loop3A_367], %parallel_loop3A_370 {strides = array<i32>} : memref<64x128xf32, #tpu.memory_space<vmem>>, vector<1x16xf32>,
        %parallel_loop3A_371 = arith.index_cast %parallel_loop3A_272 : i32 to index
        %parallel_loop3A_372 = arith.constant 112 : index
        %parallel_loop3A_373 = tpu.vector_load %arg12[%parallel_loop3A_371, %parallel_loop3A_372] {strides = array<i32>} : memref<64x128xf32, #tpu.memory_space<vmem>>, vector<1x16xf32>,
        %parallel_loop3A_374 = vector.shape_cast %parallel_loop3A_373 : vector<1x16xf32> to vector<16xf32>
        %parallel_loop3A_375 = arith.index_cast %parallel_loop3A_272 : i32 to index
        %parallel_loop3A_376 = arith.constant 112 : index
        %parallel_loop3A_377 = tpu.vector_load %arg16[%parallel_loop3A_375, %parallel_loop3A_376] {strides = array<i32>} : memref<64x128xf32, #tpu.memory_space<vmem>>, vector<1x16xf32>,
        %parallel_loop3A_378 = vector.shape_cast %parallel_loop3A_377 : vector<1x16xf32> to vector<16xf32>
        %parallel_loop3A_379 = arith.subf %parallel_loop3A_374, %parallel_loop3A_378 : vector<16xf32>
        %parallel_loop3A_380 = arith.index_cast %parallel_loop3A_272 : i32 to index
        %parallel_loop3A_381 = arith.constant 112 : index
        %parallel_loop3A_382 = tpu.vector_load %arg20[%parallel_loop3A_380, %parallel_loop3A_381] {strides = array<i32>} : memref<64x128xf32, #tpu.memory_space<vmem>>, vector<1x16xf32>,
        %parallel_loop3A_383 = vector.shape_cast %parallel_loop3A_382 : vector<1x16xf32> to vector<16xf32>
        %parallel_loop3A_384 = vector.shape_cast %parallel_loop3A_379 : vector<16xf32> to vector<1x16xf32>
        tpu.vector_store %arg20[%parallel_loop3A_380, %parallel_loop3A_381], %parallel_loop3A_384 {strides = array<i32>} : memref<64x128xf32, #tpu.memory_space<vmem>>, vector<1x16xf32>,
      } {sc.loop_unroll_factor = 4 : i64, sc.parallel_access}
      %mul3A_168 = arith.constant 64 : i32
      %mul3A_169 = arith.muli %add3A_140, %mul3A_168 : i32
      %add3A_170 = arith.addi %mul3A_2, %mul3A_169 : i32
      %dma_start3A_171 = arith.constant 0 : i32
      %dma_start3A_172 = tpu.memref_slice %arg7[%add3A_170, %dma_start3A_171] : memref<16384x128xf32, #tpu.memory_space<hbm>> -> memref<64x128xf32, #tpu.memory_space<hbm>>
      %dma_start3A_173 = arith.constant 0 : i32
      %dma_start3A_174 = tpu.memref_slice %arg7[%add3A_170, %dma_start3A_173] : memref<16384x128xf32, #tpu.memory_space<hbm>> -> memref<64x128xf32, #tpu.memory_space<hbm>>
      tpu.enqueue_dma source(%arg20 : memref<64x128xf32, #tpu.memory_space<vmem>>) target(%dma_start3A_174 : memref<64x128xf32, #tpu.memory_space<hbm>>) target_semaphore(%arg36 : memref<!tpu.dma_semaphore, #tpu.memory_space<semaphore_mem>>)
      %add3A_175 = arith.constant 1 : i32
      %add3A_176 = arith.addi %scan3A_94, %add3A_175 : i32
      %lt3A_177 = arith.constant 2 : i32
      %lt3A_178 = arith.cmpi slt, %add3A_176, %lt3A_177 : i32
      %convert_element_type3A_179 = arith.extui %lt3A_178 : i1 to i32
      %cond3A_180 = arith.constant 0 : i32
      %cond3A_181 = arith.cmpi ne, %convert_element_type3A_179, %cond3A_180 : i32
      scf.if %cond3A_181 {
        %add3A_272 = arith.constant 4 : i32
        %add3A_273 = arith.addi %add3A_140, %add3A_272 : i32
        %mul3A_274 = arith.constant 64 : i32
        %mul3A_275 = arith.muli %add3A_273, %mul3A_274 : i32
        %dma_start3A_276 = tpu.memref_slice %arg8[%mul3A_275] : memref<512xi32, #tpu.memory_space<vmem>> -> memref<64xi32, #tpu.memory_space<vmem>>
        %dma_start3A_277 = arith.constant 0 : i32
        %dma_start3A_278 = arith.constant 0 : i32
        %dma_start3A_279 = tpu.memref_slice %arg5[%dma_start3A_277, %dma_start3A_278] : memref<100000x128xf32, #tpu.memory_space<hbm>> -> memref<100000x128xf32, #tpu.memory_space<hbm>>
        tpu.enqueue_indirect_dma source(%dma_start3A_279 : memref<100000x128xf32, #tpu.memory_space<hbm>>) target(%arg12 : memref<64x128xf32, #tpu.memory_space<vmem>>) offsets(%dma_start3A_276 : memref<64xi32, #tpu.memory_space<vmem>>) semaphore(%arg24 : memref<!tpu.dma_semaphore, #tpu.memory_space<semaphore_mem>>)
        %add3A_280 = arith.constant 4 : i32
        %add3A_281 = arith.addi %add3A_140, %add3A_280 : i32
        %mul3A_282 = arith.constant 64 : i32
        %mul3A_283 = arith.muli %add3A_281, %mul3A_282 : i32
        %dma_start3A_284 = tpu.memref_slice %arg10[%mul3A_283] : memref<512xi32, #tpu.memory_space<vmem>> -> memref<64xi32, #tpu.memory_space<vmem>>
        %dma_start3A_285 = arith.constant 0 : i32
        %dma_start3A_286 = arith.constant 0 : i32
        %dma_start3A_287 = tpu.memref_slice %arg5[%dma_start3A_285, %dma_start3A_286] : memref<100000x128xf32, #tpu.memory_space<hbm>> -> memref<100000x128xf32, #tpu.memory_space<hbm>>
        tpu.enqueue_indirect_dma source(%dma_start3A_287 : memref<100000x128xf32, #tpu.memory_space<hbm>>) target(%arg16 : memref<64x128xf32, #tpu.memory_space<vmem>>) offsets(%dma_start3A_284 : memref<64xi32, #tpu.memory_space<vmem>>) semaphore(%arg28 : memref<!tpu.dma_semaphore, #tpu.memory_space<semaphore_mem>>)
      } else {
      }
      %mul3A_182 = arith.constant 4 : i32
      %mul3A_183 = arith.muli %scan3A_94, %mul3A_182 : i32
      %add3A_184 = arith.constant 2 : i32
      %add3A_185 = arith.addi %mul3A_183, %add3A_184 : i32
      %add3A_186 = arith.constant 1 : i32
      %add3A_187 = arith.addi %add3A_185, %add3A_186 : i32
      %lt3A_188 = arith.constant 8 : i32
      %lt3A_189 = arith.cmpi slt, %add3A_187, %lt3A_188 : i32
      %convert_element_type3A_190 = arith.extui %lt3A_189 : i1 to i32
      %cond3A_191 = arith.constant 0 : i32
      %cond3A_192 = arith.cmpi ne, %convert_element_type3A_190, %cond3A_191 : i32
      scf.if %cond3A_192 {
        %add3A_272 = arith.constant 1 : i32
        %add3A_273 = arith.addi %add3A_185, %add3A_272 : i32
        %mul3A_274 = arith.constant 64 : i32
        %mul3A_275 = arith.muli %add3A_273, %mul3A_274 : i32
        %dma_wait3A_276 = tpu.memref_slice %arg8[%mul3A_275] : memref<512xi32, #tpu.memory_space<vmem>> -> memref<64xi32, #tpu.memory_space<vmem>>
        %dma_wait3A_277 = arith.constant 0 : i32
        %dma_wait3A_278 = arith.constant 0 : i32
        %dma_wait3A_279 = tpu.memref_slice %arg5[%dma_wait3A_277, %dma_wait3A_278] : memref<100000x128xf32, #tpu.memory_space<hbm>> -> memref<100000x128xf32, #tpu.memory_space<hbm>>
        tpu.wait_indirect_dma semaphore(%arg26 : memref<!tpu.dma_semaphore, #tpu.memory_space<semaphore_mem>>) src(%dma_wait3A_279 : memref<100000x128xf32, #tpu.memory_space<hbm>>) dst(%arg14 : memref<64x128xf32, #tpu.memory_space<vmem>>)
        %add3A_280 = arith.constant 1 : i32
        %add3A_281 = arith.addi %add3A_185, %add3A_280 : i32
        %mul3A_282 = arith.constant 64 : i32
        %mul3A_283 = arith.muli %add3A_281, %mul3A_282 : i32
        %dma_start3A_284 = tpu.memref_slice %arg9[%mul3A_283] : memref<512xi32, #tpu.memory_space<vmem>> -> memref<64xi32, #tpu.memory_space<vmem>>
        %dma_start3A_285 = arith.constant 0 : i32
        %dma_start3A_286 = arith.constant 0 : i32
        %dma_start3A_287 = tpu.memref_slice %arg39[%dma_start3A_285, %dma_start3A_286] : memref<1000x128xf32, #tpu.memory_space<vmem_shared>> -> memref<1000x128xf32, #tpu.memory_space<vmem_shared>>
        tpu.enqueue_indirect_dma source(%dma_start3A_287 : memref<1000x128xf32, #tpu.memory_space<vmem_shared>>) target(%arg14 : memref<64x128xf32, #tpu.memory_space<vmem>>) offsets(%dma_start3A_284 : memref<64xi32, #tpu.memory_space<vmem>>) semaphore(%arg34 : memref<!tpu.dma_semaphore, #tpu.memory_space<semaphore_mem>>) {add = true}
      } else {
      }
      %dma_wait3A_193 = arith.constant 0 : i32
      %dma_wait3A_194 = arith.constant 0 : i32
      %dma_wait3A_195 = tpu.memref_slice %arg39[%dma_wait3A_193, %dma_wait3A_194] : memref<1000x128xf32, #tpu.memory_space<vmem_shared>> -> memref<64x128xf32, #tpu.memory_space<vmem_shared>>
      %dma_wait3A_196 = arith.constant 0 : i32
      %dma_wait3A_197 = arith.constant 0 : i32
      %dma_wait3A_198 = tpu.memref_slice %arg39[%dma_wait3A_196, %dma_wait3A_197] : memref<1000x128xf32, #tpu.memory_space<vmem_shared>> -> memref<64x128xf32, #tpu.memory_space<vmem_shared>>
      tpu.wait_dma2 semaphore(%arg33 : memref<!tpu.dma_semaphore, #tpu.memory_space<semaphore_mem>>) src(%dma_wait3A_198 : memref<64x128xf32, #tpu.memory_space<vmem_shared>>) dst(%arg13 : memref<64x128xf32, #tpu.memory_space<vmem>>)
      %mul3A_199 = arith.constant 64 : i32
      %mul3A_200 = arith.muli %add3A_185, %mul3A_199 : i32
      %dma_wait3A_201 = tpu.memref_slice %arg10[%mul3A_200] : memref<512xi32, #tpu.memory_space<vmem>> -> memref<64xi32, #tpu.memory_space<vmem>>
      %dma_wait3A_202 = arith.constant 0 : i32
      %dma_wait3A_203 = arith.constant 0 : i32
      %dma_wait3A_204 = tpu.memref_slice %arg5[%dma_wait3A_202, %dma_wait3A_203] : memref<100000x128xf32, #tpu.memory_space<hbm>> -> memref<100000x128xf32, #tpu.memory_space<hbm>>
      tpu.wait_indirect_dma semaphore(%arg29 : memref<!tpu.dma_semaphore, #tpu.memory_space<semaphore_mem>>) src(%dma_wait3A_204 : memref<100000x128xf32, #tpu.memory_space<hbm>>) dst(%arg17 : memref<64x128xf32, #tpu.memory_space<vmem>>)
      %gt3A_205 = arith.constant 0 : i32
      %gt3A_206 = arith.cmpi sgt, %scan3A_94, %gt3A_205 : i32
      %convert_element_type3A_207 = arith.extui %gt3A_206 : i1 to i32
      %cond3A_208 = arith.constant 0 : i32
      %cond3A_209 = arith.cmpi ne, %convert_element_type3A_207, %cond3A_208 : i32
      scf.if %cond3A_209 {
        %mul3A_272 = arith.constant 64 : i32
        %mul3A_273 = arith.muli %add3A_185, %mul3A_272 : i32
        %add3A_274 = arith.addi %mul3A_2, %mul3A_273 : i32
        %dma_wait3A_275 = arith.constant 0 : i32
        %dma_wait3A_276 = tpu.memref_slice %arg7[%add3A_274, %dma_wait3A_275] : memref<16384x128xf32, #tpu.memory_space<hbm>> -> memref<64x128xf32, #tpu.memory_space<hbm>>
        %dma_wait3A_277 = arith.constant 0 : i32
        %dma_wait3A_278 = tpu.memref_slice %arg7[%add3A_274, %dma_wait3A_277] : memref<16384x128xf32, #tpu.memory_space<hbm>> -> memref<64x128xf32, #tpu.memory_space<hbm>>
        tpu.wait_dma2 semaphore(%arg37 : memref<!tpu.dma_semaphore, #tpu.memory_space<semaphore_mem>>) src(%arg21 : memref<64x128xf32, #tpu.memory_space<vmem>>) dst(%dma_wait3A_278 : memref<64x128xf32, #tpu.memory_space<hbm>>)
      } else {
      }
      %parallel_loop3A_210 = arith.constant 0 : i32
      %parallel_loop3A_211 = arith.constant 64 : i32
      %parallel_loop3A_212 = arith.constant 1 : i32
      scf.for %parallel_loop3A_272 = %parallel_loop3A_210 to %parallel_loop3A_211 step %parallel_loop3A_212  : i32 {
        %parallel_loop3A_273 = arith.index_cast %parallel_loop3A_272 : i32 to index
        %parallel_loop3A_274 = arith.constant 0 : index
        %parallel_loop3A_275 = tpu.vector_load %arg13[%parallel_loop3A_273, %parallel_loop3A_274] {strides = array<i32>} : memref<64x128xf32, #tpu.memory_space<vmem>>, vector<1x16xf32>,
        %parallel_loop3A_276 = vector.shape_cast %parallel_loop3A_275 : vector<1x16xf32> to vector<16xf32>
        %parallel_loop3A_277 = arith.index_cast %parallel_loop3A_272 : i32 to index
        %parallel_loop3A_278 = arith.constant 0 : index
        %parallel_loop3A_279 = tpu.vector_load %arg17[%parallel_loop3A_277, %parallel_loop3A_278] {strides = array<i32>} : memref<64x128xf32, #tpu.memory_space<vmem>>, vector<1x16xf32>,
        %parallel_loop3A_280 = vector.shape_cast %parallel_loop3A_279 : vector<1x16xf32> to vector<16xf32>
        %parallel_loop3A_281 = arith.subf %parallel_loop3A_276, %parallel_loop3A_280 : vector<16xf32>
        %parallel_loop3A_282 = arith.index_cast %parallel_loop3A_272 : i32 to index
        %parallel_loop3A_283 = arith.constant 0 : index
        %parallel_loop3A_284 = tpu.vector_load %arg21[%parallel_loop3A_282, %parallel_loop3A_283] {strides = array<i32>} : memref<64x128xf32, #tpu.memory_space<vmem>>, vector<1x16xf32>,
        %parallel_loop3A_285 = vector.shape_cast %parallel_loop3A_284 : vector<1x16xf32> to vector<16xf32>
        %parallel_loop3A_286 = vector.shape_cast %parallel_loop3A_281 : vector<16xf32> to vector<1x16xf32>
        tpu.vector_store %arg21[%parallel_loop3A_282, %parallel_loop3A_283], %parallel_loop3A_286 {strides = array<i32>} : memref<64x128xf32, #tpu.memory_space<vmem>>, vector<1x16xf32>,
        %parallel_loop3A_287 = arith.index_cast %parallel_loop3A_272 : i32 to index
        %parallel_loop3A_288 = arith.constant 16 : index
        %parallel_loop3A_289 = tpu.vector_load %arg13[%parallel_loop3A_287, %parallel_loop3A_288] {strides = array<i32>} : memref<64x128xf32, #tpu.memory_space<vmem>>, vector<1x16xf32>,
        %parallel_loop3A_290 = vector.shape_cast %parallel_loop3A_289 : vector<1x16xf32> to vector<16xf32>
        %parallel_loop3A_291 = arith.index_cast %parallel_loop3A_272 : i32 to index
        %parallel_loop3A_292 = arith.constant 16 : index
        %parallel_loop3A_293 = tpu.vector_load %arg17[%parallel_loop3A_291, %parallel_loop3A_292] {strides = array<i32>} : memref<64x128xf32, #tpu.memory_space<vmem>>, vector<1x16xf32>,
        %parallel_loop3A_294 = vector.shape_cast %parallel_loop3A_293 : vector<1x16xf32> to vector<16xf32>
        %parallel_loop3A_295 = arith.subf %parallel_loop3A_290, %parallel_loop3A_294 : vector<16xf32>
        %parallel_loop3A_296 = arith.index_cast %parallel_loop3A_272 : i32 to index
        %parallel_loop3A_297 = arith.constant 16 : index
        %parallel_loop3A_298 = tpu.vector_load %arg21[%parallel_loop3A_296, %parallel_loop3A_297] {strides = array<i32>} : memref<64x128xf32, #tpu.memory_space<vmem>>, vector<1x16xf32>,
        %parallel_loop3A_299 = vector.shape_cast %parallel_loop3A_298 : vector<1x16xf32> to vector<16xf32>
        %parallel_loop3A_300 = vector.shape_cast %parallel_loop3A_295 : vector<16xf32> to vector<1x16xf32>
        tpu.vector_store %arg21[%parallel_loop3A_296, %parallel_loop3A_297], %parallel_loop3A_300 {strides = array<i32>} : memref<64x128xf32, #tpu.memory_space<vmem>>, vector<1x16xf32>,
        %parallel_loop3A_301 = arith.index_cast %parallel_loop3A_272 : i32 to index
        %parallel_loop3A_302 = arith.constant 32 : index
        %parallel_loop3A_303 = tpu.vector_load %arg13[%parallel_loop3A_301, %parallel_loop3A_302] {strides = array<i32>} : memref<64x128xf32, #tpu.memory_space<vmem>>, vector<1x16xf32>,
        %parallel_loop3A_304 = vector.shape_cast %parallel_loop3A_303 : vector<1x16xf32> to vector<16xf32>
        %parallel_loop3A_305 = arith.index_cast %parallel_loop3A_272 : i32 to index
        %parallel_loop3A_306 = arith.constant 32 : index
        %parallel_loop3A_307 = tpu.vector_load %arg17[%parallel_loop3A_305, %parallel_loop3A_306] {strides = array<i32>} : memref<64x128xf32, #tpu.memory_space<vmem>>, vector<1x16xf32>,
        %parallel_loop3A_308 = vector.shape_cast %parallel_loop3A_307 : vector<1x16xf32> to vector<16xf32>
        %parallel_loop3A_309 = arith.subf %parallel_loop3A_304, %parallel_loop3A_308 : vector<16xf32>
        %parallel_loop3A_310 = arith.index_cast %parallel_loop3A_272 : i32 to index
        %parallel_loop3A_311 = arith.constant 32 : index
        %parallel_loop3A_312 = tpu.vector_load %arg21[%parallel_loop3A_310, %parallel_loop3A_311] {strides = array<i32>} : memref<64x128xf32, #tpu.memory_space<vmem>>, vector<1x16xf32>,
        %parallel_loop3A_313 = vector.shape_cast %parallel_loop3A_312 : vector<1x16xf32> to vector<16xf32>
        %parallel_loop3A_314 = vector.shape_cast %parallel_loop3A_309 : vector<16xf32> to vector<1x16xf32>
        tpu.vector_store %arg21[%parallel_loop3A_310, %parallel_loop3A_311], %parallel_loop3A_314 {strides = array<i32>} : memref<64x128xf32, #tpu.memory_space<vmem>>, vector<1x16xf32>,
        %parallel_loop3A_315 = arith.index_cast %parallel_loop3A_272 : i32 to index
        %parallel_loop3A_316 = arith.constant 48 : index
        %parallel_loop3A_317 = tpu.vector_load %arg13[%parallel_loop3A_315, %parallel_loop3A_316] {strides = array<i32>} : memref<64x128xf32, #tpu.memory_space<vmem>>, vector<1x16xf32>,
        %parallel_loop3A_318 = vector.shape_cast %parallel_loop3A_317 : vector<1x16xf32> to vector<16xf32>
        %parallel_loop3A_319 = arith.index_cast %parallel_loop3A_272 : i32 to index
        %parallel_loop3A_320 = arith.constant 48 : index
        %parallel_loop3A_321 = tpu.vector_load %arg17[%parallel_loop3A_319, %parallel_loop3A_320] {strides = array<i32>} : memref<64x128xf32, #tpu.memory_space<vmem>>, vector<1x16xf32>,
        %parallel_loop3A_322 = vector.shape_cast %parallel_loop3A_321 : vector<1x16xf32> to vector<16xf32>
        %parallel_loop3A_323 = arith.subf %parallel_loop3A_318, %parallel_loop3A_322 : vector<16xf32>
        %parallel_loop3A_324 = arith.index_cast %parallel_loop3A_272 : i32 to index
        %parallel_loop3A_325 = arith.constant 48 : index
        %parallel_loop3A_326 = tpu.vector_load %arg21[%parallel_loop3A_324, %parallel_loop3A_325] {strides = array<i32>} : memref<64x128xf32, #tpu.memory_space<vmem>>, vector<1x16xf32>,
        %parallel_loop3A_327 = vector.shape_cast %parallel_loop3A_326 : vector<1x16xf32> to vector<16xf32>
        %parallel_loop3A_328 = vector.shape_cast %parallel_loop3A_323 : vector<16xf32> to vector<1x16xf32>
        tpu.vector_store %arg21[%parallel_loop3A_324, %parallel_loop3A_325], %parallel_loop3A_328 {strides = array<i32>} : memref<64x128xf32, #tpu.memory_space<vmem>>, vector<1x16xf32>,
        %parallel_loop3A_329 = arith.index_cast %parallel_loop3A_272 : i32 to index
        %parallel_loop3A_330 = arith.constant 64 : index
        %parallel_loop3A_331 = tpu.vector_load %arg13[%parallel_loop3A_329, %parallel_loop3A_330] {strides = array<i32>} : memref<64x128xf32, #tpu.memory_space<vmem>>, vector<1x16xf32>,
        %parallel_loop3A_332 = vector.shape_cast %parallel_loop3A_331 : vector<1x16xf32> to vector<16xf32>
        %parallel_loop3A_333 = arith.index_cast %parallel_loop3A_272 : i32 to index
        %parallel_loop3A_334 = arith.constant 64 : index
        %parallel_loop3A_335 = tpu.vector_load %arg17[%parallel_loop3A_333, %parallel_loop3A_334] {strides = array<i32>} : memref<64x128xf32, #tpu.memory_space<vmem>>, vector<1x16xf32>,
        %parallel_loop3A_336 = vector.shape_cast %parallel_loop3A_335 : vector<1x16xf32> to vector<16xf32>
        %parallel_loop3A_337 = arith.subf %parallel_loop3A_332, %parallel_loop3A_336 : vector<16xf32>
        %parallel_loop3A_338 = arith.index_cast %parallel_loop3A_272 : i32 to index
        %parallel_loop3A_339 = arith.constant 64 : index
        %parallel_loop3A_340 = tpu.vector_load %arg21[%parallel_loop3A_338, %parallel_loop3A_339] {strides = array<i32>} : memref<64x128xf32, #tpu.memory_space<vmem>>, vector<1x16xf32>,
        %parallel_loop3A_341 = vector.shape_cast %parallel_loop3A_340 : vector<1x16xf32> to vector<16xf32>
        %parallel_loop3A_342 = vector.shape_cast %parallel_loop3A_337 : vector<16xf32> to vector<1x16xf32>
        tpu.vector_store %arg21[%parallel_loop3A_338, %parallel_loop3A_339], %parallel_loop3A_342 {strides = array<i32>} : memref<64x128xf32, #tpu.memory_space<vmem>>, vector<1x16xf32>,
        %parallel_loop3A_343 = arith.index_cast %parallel_loop3A_272 : i32 to index
        %parallel_loop3A_344 = arith.constant 80 : index
        %parallel_loop3A_345 = tpu.vector_load %arg13[%parallel_loop3A_343, %parallel_loop3A_344] {strides = array<i32>} : memref<64x128xf32, #tpu.memory_space<vmem>>, vector<1x16xf32>,
        %parallel_loop3A_346 = vector.shape_cast %parallel_loop3A_345 : vector<1x16xf32> to vector<16xf32>
        %parallel_loop3A_347 = arith.index_cast %parallel_loop3A_272 : i32 to index
        %parallel_loop3A_348 = arith.constant 80 : index
        %parallel_loop3A_349 = tpu.vector_load %arg17[%parallel_loop3A_347, %parallel_loop3A_348] {strides = array<i32>} : memref<64x128xf32, #tpu.memory_space<vmem>>, vector<1x16xf32>,
        %parallel_loop3A_350 = vector.shape_cast %parallel_loop3A_349 : vector<1x16xf32> to vector<16xf32>
        %parallel_loop3A_351 = arith.subf %parallel_loop3A_346, %parallel_loop3A_350 : vector<16xf32>
        %parallel_loop3A_352 = arith.index_cast %parallel_loop3A_272 : i32 to index
        %parallel_loop3A_353 = arith.constant 80 : index
        %parallel_loop3A_354 = tpu.vector_load %arg21[%parallel_loop3A_352, %parallel_loop3A_353] {strides = array<i32>} : memref<64x128xf32, #tpu.memory_space<vmem>>, vector<1x16xf32>,
        %parallel_loop3A_355 = vector.shape_cast %parallel_loop3A_354 : vector<1x16xf32> to vector<16xf32>
        %parallel_loop3A_356 = vector.shape_cast %parallel_loop3A_351 : vector<16xf32> to vector<1x16xf32>
        tpu.vector_store %arg21[%parallel_loop3A_352, %parallel_loop3A_353], %parallel_loop3A_356 {strides = array<i32>} : memref<64x128xf32, #tpu.memory_space<vmem>>, vector<1x16xf32>,
        %parallel_loop3A_357 = arith.index_cast %parallel_loop3A_272 : i32 to index
        %parallel_loop3A_358 = arith.constant 96 : index
        %parallel_loop3A_359 = tpu.vector_load %arg13[%parallel_loop3A_357, %parallel_loop3A_358] {strides = array<i32>} : memref<64x128xf32, #tpu.memory_space<vmem>>, vector<1x16xf32>,
        %parallel_loop3A_360 = vector.shape_cast %parallel_loop3A_359 : vector<1x16xf32> to vector<16xf32>
        %parallel_loop3A_361 = arith.index_cast %parallel_loop3A_272 : i32 to index
        %parallel_loop3A_362 = arith.constant 96 : index
        %parallel_loop3A_363 = tpu.vector_load %arg17[%parallel_loop3A_361, %parallel_loop3A_362] {strides = array<i32>} : memref<64x128xf32, #tpu.memory_space<vmem>>, vector<1x16xf32>,
        %parallel_loop3A_364 = vector.shape_cast %parallel_loop3A_363 : vector<1x16xf32> to vector<16xf32>
        %parallel_loop3A_365 = arith.subf %parallel_loop3A_360, %parallel_loop3A_364 : vector<16xf32>
        %parallel_loop3A_366 = arith.index_cast %parallel_loop3A_272 : i32 to index
        %parallel_loop3A_367 = arith.constant 96 : index
        %parallel_loop3A_368 = tpu.vector_load %arg21[%parallel_loop3A_366, %parallel_loop3A_367] {strides = array<i32>} : memref<64x128xf32, #tpu.memory_space<vmem>>, vector<1x16xf32>,
        %parallel_loop3A_369 = vector.shape_cast %parallel_loop3A_368 : vector<1x16xf32> to vector<16xf32>
        %parallel_loop3A_370 = vector.shape_cast %parallel_loop3A_365 : vector<16xf32> to vector<1x16xf32>
        tpu.vector_store %arg21[%parallel_loop3A_366, %parallel_loop3A_367], %parallel_loop3A_370 {strides = array<i32>} : memref<64x128xf32, #tpu.memory_space<vmem>>, vector<1x16xf32>,
        %parallel_loop3A_371 = arith.index_cast %parallel_loop3A_272 : i32 to index
        %parallel_loop3A_372 = arith.constant 112 : index
        %parallel_loop3A_373 = tpu.vector_load %arg13[%parallel_loop3A_371, %parallel_loop3A_372] {strides = array<i32>} : memref<64x128xf32, #tpu.memory_space<vmem>>, vector<1x16xf32>,
        %parallel_loop3A_374 = vector.shape_cast %parallel_loop3A_373 : vector<1x16xf32> to vector<16xf32>
        %parallel_loop3A_375 = arith.index_cast %parallel_loop3A_272 : i32 to index
        %parallel_loop3A_376 = arith.constant 112 : index
        %parallel_loop3A_377 = tpu.vector_load %arg17[%parallel_loop3A_375, %parallel_loop3A_376] {strides = array<i32>} : memref<64x128xf32, #tpu.memory_space<vmem>>, vector<1x16xf32>,
        %parallel_loop3A_378 = vector.shape_cast %parallel_loop3A_377 : vector<1x16xf32> to vector<16xf32>
        %parallel_loop3A_379 = arith.subf %parallel_loop3A_374, %parallel_loop3A_378 : vector<16xf32>
        %parallel_loop3A_380 = arith.index_cast %parallel_loop3A_272 : i32 to index
        %parallel_loop3A_381 = arith.constant 112 : index
        %parallel_loop3A_382 = tpu.vector_load %arg21[%parallel_loop3A_380, %parallel_loop3A_381] {strides = array<i32>} : memref<64x128xf32, #tpu.memory_space<vmem>>, vector<1x16xf32>,
        %parallel_loop3A_383 = vector.shape_cast %parallel_loop3A_382 : vector<1x16xf32> to vector<16xf32>
        %parallel_loop3A_384 = vector.shape_cast %parallel_loop3A_379 : vector<16xf32> to vector<1x16xf32>
        tpu.vector_store %arg21[%parallel_loop3A_380, %parallel_loop3A_381], %parallel_loop3A_384 {strides = array<i32>} : memref<64x128xf32, #tpu.memory_space<vmem>>, vector<1x16xf32>,
      } {sc.loop_unroll_factor = 4 : i64, sc.parallel_access}
      %mul3A_213 = arith.constant 64 : i32
      %mul3A_214 = arith.muli %add3A_185, %mul3A_213 : i32
      %add3A_215 = arith.addi %mul3A_2, %mul3A_214 : i32
      %dma_start3A_216 = arith.constant 0 : i32
      %dma_start3A_217 = tpu.memref_slice %arg7[%add3A_215, %dma_start3A_216] : memref<16384x128xf32, #tpu.memory_space<hbm>> -> memref<64x128xf32, #tpu.memory_space<hbm>>
      %dma_start3A_218 = arith.constant 0 : i32
      %dma_start3A_219 = tpu.memref_slice %arg7[%add3A_215, %dma_start3A_218] : memref<16384x128xf32, #tpu.memory_space<hbm>> -> memref<64x128xf32, #tpu.memory_space<hbm>>
      tpu.enqueue_dma source(%arg21 : memref<64x128xf32, #tpu.memory_space<vmem>>) target(%dma_start3A_219 : memref<64x128xf32, #tpu.memory_space<hbm>>) target_semaphore(%arg37 : memref<!tpu.dma_semaphore, #tpu.memory_space<semaphore_mem>>)
      %add3A_220 = arith.constant 1 : i32
      %add3A_221 = arith.addi %scan3A_94, %add3A_220 : i32
      %lt3A_222 = arith.constant 2 : i32
      %lt3A_223 = arith.cmpi slt, %add3A_221, %lt3A_222 : i32
      %convert_element_type3A_224 = arith.extui %lt3A_223 : i1 to i32
      %cond3A_225 = arith.constant 0 : i32
      %cond3A_226 = arith.cmpi ne, %convert_element_type3A_224, %cond3A_225 : i32
      scf.if %cond3A_226 {
        %add3A_272 = arith.constant 4 : i32
        %add3A_273 = arith.addi %add3A_185, %add3A_272 : i32
        %mul3A_274 = arith.constant 64 : i32
        %mul3A_275 = arith.muli %add3A_273, %mul3A_274 : i32
        %dma_start3A_276 = tpu.memref_slice %arg8[%mul3A_275] : memref<512xi32, #tpu.memory_space<vmem>> -> memref<64xi32, #tpu.memory_space<vmem>>
        %dma_start3A_277 = arith.constant 0 : i32
        %dma_start3A_278 = arith.constant 0 : i32
        %dma_start3A_279 = tpu.memref_slice %arg5[%dma_start3A_277, %dma_start3A_278] : memref<100000x128xf32, #tpu.memory_space<hbm>> -> memref<100000x128xf32, #tpu.memory_space<hbm>>
        tpu.enqueue_indirect_dma source(%dma_start3A_279 : memref<100000x128xf32, #tpu.memory_space<hbm>>) target(%arg13 : memref<64x128xf32, #tpu.memory_space<vmem>>) offsets(%dma_start3A_276 : memref<64xi32, #tpu.memory_space<vmem>>) semaphore(%arg25 : memref<!tpu.dma_semaphore, #tpu.memory_space<semaphore_mem>>)
        %add3A_280 = arith.constant 4 : i32
        %add3A_281 = arith.addi %add3A_185, %add3A_280 : i32
        %mul3A_282 = arith.constant 64 : i32
        %mul3A_283 = arith.muli %add3A_281, %mul3A_282 : i32
        %dma_start3A_284 = tpu.memref_slice %arg10[%mul3A_283] : memref<512xi32, #tpu.memory_space<vmem>> -> memref<64xi32, #tpu.memory_space<vmem>>
        %dma_start3A_285 = arith.constant 0 : i32
        %dma_start3A_286 = arith.constant 0 : i32
        %dma_start3A_287 = tpu.memref_slice %arg5[%dma_start3A_285, %dma_start3A_286] : memref<100000x128xf32, #tpu.memory_space<hbm>> -> memref<100000x128xf32, #tpu.memory_space<hbm>>
        tpu.enqueue_indirect_dma source(%dma_start3A_287 : memref<100000x128xf32, #tpu.memory_space<hbm>>) target(%arg17 : memref<64x128xf32, #tpu.memory_space<vmem>>) offsets(%dma_start3A_284 : memref<64xi32, #tpu.memory_space<vmem>>) semaphore(%arg29 : memref<!tpu.dma_semaphore, #tpu.memory_space<semaphore_mem>>)
      } else {
      }
      %mul3A_227 = arith.constant 4 : i32
      %mul3A_228 = arith.muli %scan3A_94, %mul3A_227 : i32
      %add3A_229 = arith.constant 3 : i32
      %add3A_230 = arith.addi %mul3A_228, %add3A_229 : i32
      %add3A_231 = arith.constant 1 : i32
      %add3A_232 = arith.addi %add3A_230, %add3A_231 : i32
      %lt3A_233 = arith.constant 8 : i32
      %lt3A_234 = arith.cmpi slt, %add3A_232, %lt3A_233 : i32
      %convert_element_type3A_235 = arith.extui %lt3A_234 : i1 to i32
      %cond3A_236 = arith.constant 0 : i32
      %cond3A_237 = arith.cmpi ne, %convert_element_type3A_235, %cond3A_236 : i32
      scf.if %cond3A_237 {
        %add3A_272 = arith.constant 1 : i32
        %add3A_273 = arith.addi %add3A_230, %add3A_272 : i32
        %mul3A_274 = arith.constant 64 : i32
        %mul3A_275 = arith.muli %add3A_273, %mul3A_274 : i32
        %dma_wait3A_276 = tpu.memref_slice %arg8[%mul3A_275] : memref<512xi32, #tpu.memory_space<vmem>> -> memref<64xi32, #tpu.memory_space<vmem>>
        %dma_wait3A_277 = arith.constant 0 : i32
        %dma_wait3A_278 = arith.constant 0 : i32
        %dma_wait3A_279 = tpu.memref_slice %arg5[%dma_wait3A_277, %dma_wait3A_278] : memref<100000x128xf32, #tpu.memory_space<hbm>> -> memref<100000x128xf32, #tpu.memory_space<hbm>>
        tpu.wait_indirect_dma semaphore(%arg23 : memref<!tpu.dma_semaphore, #tpu.memory_space<semaphore_mem>>) src(%dma_wait3A_279 : memref<100000x128xf32, #tpu.memory_space<hbm>>) dst(%arg11 : memref<64x128xf32, #tpu.memory_space<vmem>>)
        %add3A_280 = arith.constant 1 : i32
        %add3A_281 = arith.addi %add3A_230, %add3A_280 : i32
        %mul3A_282 = arith.constant 64 : i32
        %mul3A_283 = arith.muli %add3A_281, %mul3A_282 : i32
        %dma_start3A_284 = tpu.memref_slice %arg9[%mul3A_283] : memref<512xi32, #tpu.memory_space<vmem>> -> memref<64xi32, #tpu.memory_space<vmem>>
        %dma_start3A_285 = arith.constant 0 : i32
        %dma_start3A_286 = arith.constant 0 : i32
        %dma_start3A_287 = tpu.memref_slice %arg39[%dma_start3A_285, %dma_start3A_286] : memref<1000x128xf32, #tpu.memory_space<vmem_shared>> -> memref<1000x128xf32, #tpu.memory_space<vmem_shared>>
        tpu.enqueue_indirect_dma source(%dma_start3A_287 : memref<1000x128xf32, #tpu.memory_space<vmem_shared>>) target(%arg11 : memref<64x128xf32, #tpu.memory_space<vmem>>) offsets(%dma_start3A_284 : memref<64xi32, #tpu.memory_space<vmem>>) semaphore(%arg31 : memref<!tpu.dma_semaphore, #tpu.memory_space<semaphore_mem>>) {add = true}
      } else {
      }
      %dma_wait3A_238 = arith.constant 0 : i32
      %dma_wait3A_239 = arith.constant 0 : i32
      %dma_wait3A_240 = tpu.memref_slice %arg39[%dma_wait3A_238, %dma_wait3A_239] : memref<1000x128xf32, #tpu.memory_space<vmem_shared>> -> memref<64x128xf32, #tpu.memory_space<vmem_shared>>
      %dma_wait3A_241 = arith.constant 0 : i32
      %dma_wait3A_242 = arith.constant 0 : i32
      %dma_wait3A_243 = tpu.memref_slice %arg39[%dma_wait3A_241, %dma_wait3A_242] : memref<1000x128xf32, #tpu.memory_space<vmem_shared>> -> memref<64x128xf32, #tpu.memory_space<vmem_shared>>
      tpu.wait_dma2 semaphore(%arg34 : memref<!tpu.dma_semaphore, #tpu.memory_space<semaphore_mem>>) src(%dma_wait3A_243 : memref<64x128xf32, #tpu.memory_space<vmem_shared>>) dst(%arg14 : memref<64x128xf32, #tpu.memory_space<vmem>>)
      %mul3A_244 = arith.constant 64 : i32
      %mul3A_245 = arith.muli %add3A_230, %mul3A_244 : i32
      %dma_wait3A_246 = tpu.memref_slice %arg10[%mul3A_245] : memref<512xi32, #tpu.memory_space<vmem>> -> memref<64xi32, #tpu.memory_space<vmem>>
      %dma_wait3A_247 = arith.constant 0 : i32
      %dma_wait3A_248 = arith.constant 0 : i32
      %dma_wait3A_249 = tpu.memref_slice %arg5[%dma_wait3A_247, %dma_wait3A_248] : memref<100000x128xf32, #tpu.memory_space<hbm>> -> memref<100000x128xf32, #tpu.memory_space<hbm>>
      tpu.wait_indirect_dma semaphore(%arg30 : memref<!tpu.dma_semaphore, #tpu.memory_space<semaphore_mem>>) src(%dma_wait3A_249 : memref<100000x128xf32, #tpu.memory_space<hbm>>) dst(%arg18 : memref<64x128xf32, #tpu.memory_space<vmem>>)
      %gt3A_250 = arith.constant 0 : i32
      %gt3A_251 = arith.cmpi sgt, %scan3A_94, %gt3A_250 : i32
      %convert_element_type3A_252 = arith.extui %gt3A_251 : i1 to i32
      %cond3A_253 = arith.constant 0 : i32
      %cond3A_254 = arith.cmpi ne, %convert_element_type3A_252, %cond3A_253 : i32
      scf.if %cond3A_254 {
        %mul3A_272 = arith.constant 64 : i32
        %mul3A_273 = arith.muli %add3A_230, %mul3A_272 : i32
        %add3A_274 = arith.addi %mul3A_2, %mul3A_273 : i32
        %dma_wait3A_275 = arith.constant 0 : i32
        %dma_wait3A_276 = tpu.memref_slice %arg7[%add3A_274, %dma_wait3A_275] : memref<16384x128xf32, #tpu.memory_space<hbm>> -> memref<64x128xf32, #tpu.memory_space<hbm>>
        %dma_wait3A_277 = arith.constant 0 : i32
        %dma_wait3A_278 = tpu.memref_slice %arg7[%add3A_274, %dma_wait3A_277] : memref<16384x128xf32, #tpu.memory_space<hbm>> -> memref<64x128xf32, #tpu.memory_space<hbm>>
        tpu.wait_dma2 semaphore(%arg38 : memref<!tpu.dma_semaphore, #tpu.memory_space<semaphore_mem>>) src(%arg22 : memref<64x128xf32, #tpu.memory_space<vmem>>) dst(%dma_wait3A_278 : memref<64x128xf32, #tpu.memory_space<hbm>>)
      } else {
      }
      %parallel_loop3A_255 = arith.constant 0 : i32
      %parallel_loop3A_256 = arith.constant 64 : i32
      %parallel_loop3A_257 = arith.constant 1 : i32
      scf.for %parallel_loop3A_272 = %parallel_loop3A_255 to %parallel_loop3A_256 step %parallel_loop3A_257  : i32 {
        %parallel_loop3A_273 = arith.index_cast %parallel_loop3A_272 : i32 to index
        %parallel_loop3A_274 = arith.constant 0 : index
        %parallel_loop3A_275 = tpu.vector_load %arg14[%parallel_loop3A_273, %parallel_loop3A_274] {strides = array<i32>} : memref<64x128xf32, #tpu.memory_space<vmem>>, vector<1x16xf32>,
        %parallel_loop3A_276 = vector.shape_cast %parallel_loop3A_275 : vector<1x16xf32> to vector<16xf32>
        %parallel_loop3A_277 = arith.index_cast %parallel_loop3A_272 : i32 to index
        %parallel_loop3A_278 = arith.constant 0 : index
        %parallel_loop3A_279 = tpu.vector_load %arg18[%parallel_loop3A_277, %parallel_loop3A_278] {strides = array<i32>} : memref<64x128xf32, #tpu.memory_space<vmem>>, vector<1x16xf32>,
        %parallel_loop3A_280 = vector.shape_cast %parallel_loop3A_279 : vector<1x16xf32> to vector<16xf32>
        %parallel_loop3A_281 = arith.subf %parallel_loop3A_276, %parallel_loop3A_280 : vector<16xf32>
        %parallel_loop3A_282 = arith.index_cast %parallel_loop3A_272 : i32 to index
        %parallel_loop3A_283 = arith.constant 0 : index
        %parallel_loop3A_284 = tpu.vector_load %arg22[%parallel_loop3A_282, %parallel_loop3A_283] {strides = array<i32>} : memref<64x128xf32, #tpu.memory_space<vmem>>, vector<1x16xf32>,
        %parallel_loop3A_285 = vector.shape_cast %parallel_loop3A_284 : vector<1x16xf32> to vector<16xf32>
        %parallel_loop3A_286 = vector.shape_cast %parallel_loop3A_281 : vector<16xf32> to vector<1x16xf32>
        tpu.vector_store %arg22[%parallel_loop3A_282, %parallel_loop3A_283], %parallel_loop3A_286 {strides = array<i32>} : memref<64x128xf32, #tpu.memory_space<vmem>>, vector<1x16xf32>,
        %parallel_loop3A_287 = arith.index_cast %parallel_loop3A_272 : i32 to index
        %parallel_loop3A_288 = arith.constant 16 : index
        %parallel_loop3A_289 = tpu.vector_load %arg14[%parallel_loop3A_287, %parallel_loop3A_288] {strides = array<i32>} : memref<64x128xf32, #tpu.memory_space<vmem>>, vector<1x16xf32>,
        %parallel_loop3A_290 = vector.shape_cast %parallel_loop3A_289 : vector<1x16xf32> to vector<16xf32>
        %parallel_loop3A_291 = arith.index_cast %parallel_loop3A_272 : i32 to index
        %parallel_loop3A_292 = arith.constant 16 : index
        %parallel_loop3A_293 = tpu.vector_load %arg18[%parallel_loop3A_291, %parallel_loop3A_292] {strides = array<i32>} : memref<64x128xf32, #tpu.memory_space<vmem>>, vector<1x16xf32>,
        %parallel_loop3A_294 = vector.shape_cast %parallel_loop3A_293 : vector<1x16xf32> to vector<16xf32>
        %parallel_loop3A_295 = arith.subf %parallel_loop3A_290, %parallel_loop3A_294 : vector<16xf32>
        %parallel_loop3A_296 = arith.index_cast %parallel_loop3A_272 : i32 to index
        %parallel_loop3A_297 = arith.constant 16 : index
        %parallel_loop3A_298 = tpu.vector_load %arg22[%parallel_loop3A_296, %parallel_loop3A_297] {strides = array<i32>} : memref<64x128xf32, #tpu.memory_space<vmem>>, vector<1x16xf32>,
        %parallel_loop3A_299 = vector.shape_cast %parallel_loop3A_298 : vector<1x16xf32> to vector<16xf32>
        %parallel_loop3A_300 = vector.shape_cast %parallel_loop3A_295 : vector<16xf32> to vector<1x16xf32>
        tpu.vector_store %arg22[%parallel_loop3A_296, %parallel_loop3A_297], %parallel_loop3A_300 {strides = array<i32>} : memref<64x128xf32, #tpu.memory_space<vmem>>, vector<1x16xf32>,
        %parallel_loop3A_301 = arith.index_cast %parallel_loop3A_272 : i32 to index
        %parallel_loop3A_302 = arith.constant 32 : index
        %parallel_loop3A_303 = tpu.vector_load %arg14[%parallel_loop3A_301, %parallel_loop3A_302] {strides = array<i32>} : memref<64x128xf32, #tpu.memory_space<vmem>>, vector<1x16xf32>,
        %parallel_loop3A_304 = vector.shape_cast %parallel_loop3A_303 : vector<1x16xf32> to vector<16xf32>
        %parallel_loop3A_305 = arith.index_cast %parallel_loop3A_272 : i32 to index
        %parallel_loop3A_306 = arith.constant 32 : index
        %parallel_loop3A_307 = tpu.vector_load %arg18[%parallel_loop3A_305, %parallel_loop3A_306] {strides = array<i32>} : memref<64x128xf32, #tpu.memory_space<vmem>>, vector<1x16xf32>,
        %parallel_loop3A_308 = vector.shape_cast %parallel_loop3A_307 : vector<1x16xf32> to vector<16xf32>
        %parallel_loop3A_309 = arith.subf %parallel_loop3A_304, %parallel_loop3A_308 : vector<16xf32>
        %parallel_loop3A_310 = arith.index_cast %parallel_loop3A_272 : i32 to index
        %parallel_loop3A_311 = arith.constant 32 : index
        %parallel_loop3A_312 = tpu.vector_load %arg22[%parallel_loop3A_310, %parallel_loop3A_311] {strides = array<i32>} : memref<64x128xf32, #tpu.memory_space<vmem>>, vector<1x16xf32>,
        %parallel_loop3A_313 = vector.shape_cast %parallel_loop3A_312 : vector<1x16xf32> to vector<16xf32>
        %parallel_loop3A_314 = vector.shape_cast %parallel_loop3A_309 : vector<16xf32> to vector<1x16xf32>
        tpu.vector_store %arg22[%parallel_loop3A_310, %parallel_loop3A_311], %parallel_loop3A_314 {strides = array<i32>} : memref<64x128xf32, #tpu.memory_space<vmem>>, vector<1x16xf32>,
        %parallel_loop3A_315 = arith.index_cast %parallel_loop3A_272 : i32 to index
        %parallel_loop3A_316 = arith.constant 48 : index
        %parallel_loop3A_317 = tpu.vector_load %arg14[%parallel_loop3A_315, %parallel_loop3A_316] {strides = array<i32>} : memref<64x128xf32, #tpu.memory_space<vmem>>, vector<1x16xf32>,
        %parallel_loop3A_318 = vector.shape_cast %parallel_loop3A_317 : vector<1x16xf32> to vector<16xf32>
        %parallel_loop3A_319 = arith.index_cast %parallel_loop3A_272 : i32 to index
        %parallel_loop3A_320 = arith.constant 48 : index
        %parallel_loop3A_321 = tpu.vector_load %arg18[%parallel_loop3A_319, %parallel_loop3A_320] {strides = array<i32>} : memref<64x128xf32, #tpu.memory_space<vmem>>, vector<1x16xf32>,
        %parallel_loop3A_322 = vector.shape_cast %parallel_loop3A_321 : vector<1x16xf32> to vector<16xf32>
        %parallel_loop3A_323 = arith.subf %parallel_loop3A_318, %parallel_loop3A_322 : vector<16xf32>
        %parallel_loop3A_324 = arith.index_cast %parallel_loop3A_272 : i32 to index
        %parallel_loop3A_325 = arith.constant 48 : index
        %parallel_loop3A_326 = tpu.vector_load %arg22[%parallel_loop3A_324, %parallel_loop3A_325] {strides = array<i32>} : memref<64x128xf32, #tpu.memory_space<vmem>>, vector<1x16xf32>,
        %parallel_loop3A_327 = vector.shape_cast %parallel_loop3A_326 : vector<1x16xf32> to vector<16xf32>
        %parallel_loop3A_328 = vector.shape_cast %parallel_loop3A_323 : vector<16xf32> to vector<1x16xf32>
        tpu.vector_store %arg22[%parallel_loop3A_324, %parallel_loop3A_325], %parallel_loop3A_328 {strides = array<i32>} : memref<64x128xf32, #tpu.memory_space<vmem>>, vector<1x16xf32>,
        %parallel_loop3A_329 = arith.index_cast %parallel_loop3A_272 : i32 to index
        %parallel_loop3A_330 = arith.constant 64 : index
        %parallel_loop3A_331 = tpu.vector_load %arg14[%parallel_loop3A_329, %parallel_loop3A_330] {strides = array<i32>} : memref<64x128xf32, #tpu.memory_space<vmem>>, vector<1x16xf32>,
        %parallel_loop3A_332 = vector.shape_cast %parallel_loop3A_331 : vector<1x16xf32> to vector<16xf32>
        %parallel_loop3A_333 = arith.index_cast %parallel_loop3A_272 : i32 to index
        %parallel_loop3A_334 = arith.constant 64 : index
        %parallel_loop3A_335 = tpu.vector_load %arg18[%parallel_loop3A_333, %parallel_loop3A_334] {strides = array<i32>} : memref<64x128xf32, #tpu.memory_space<vmem>>, vector<1x16xf32>,
        %parallel_loop3A_336 = vector.shape_cast %parallel_loop3A_335 : vector<1x16xf32> to vector<16xf32>
        %parallel_loop3A_337 = arith.subf %parallel_loop3A_332, %parallel_loop3A_336 : vector<16xf32>
        %parallel_loop3A_338 = arith.index_cast %parallel_loop3A_272 : i32 to index
        %parallel_loop3A_339 = arith.constant 64 : index
        %parallel_loop3A_340 = tpu.vector_load %arg22[%parallel_loop3A_338, %parallel_loop3A_339] {strides = array<i32>} : memref<64x128xf32, #tpu.memory_space<vmem>>, vector<1x16xf32>,
        %parallel_loop3A_341 = vector.shape_cast %parallel_loop3A_340 : vector<1x16xf32> to vector<16xf32>
        %parallel_loop3A_342 = vector.shape_cast %parallel_loop3A_337 : vector<16xf32> to vector<1x16xf32>
        tpu.vector_store %arg22[%parallel_loop3A_338, %parallel_loop3A_339], %parallel_loop3A_342 {strides = array<i32>} : memref<64x128xf32, #tpu.memory_space<vmem>>, vector<1x16xf32>,
        %parallel_loop3A_343 = arith.index_cast %parallel_loop3A_272 : i32 to index
        %parallel_loop3A_344 = arith.constant 80 : index
        %parallel_loop3A_345 = tpu.vector_load %arg14[%parallel_loop3A_343, %parallel_loop3A_344] {strides = array<i32>} : memref<64x128xf32, #tpu.memory_space<vmem>>, vector<1x16xf32>,
        %parallel_loop3A_346 = vector.shape_cast %parallel_loop3A_345 : vector<1x16xf32> to vector<16xf32>
        %parallel_loop3A_347 = arith.index_cast %parallel_loop3A_272 : i32 to index
        %parallel_loop3A_348 = arith.constant 80 : index
        %parallel_loop3A_349 = tpu.vector_load %arg18[%parallel_loop3A_347, %parallel_loop3A_348] {strides = array<i32>} : memref<64x128xf32, #tpu.memory_space<vmem>>, vector<1x16xf32>,
        %parallel_loop3A_350 = vector.shape_cast %parallel_loop3A_349 : vector<1x16xf32> to vector<16xf32>
        %parallel_loop3A_351 = arith.subf %parallel_loop3A_346, %parallel_loop3A_350 : vector<16xf32>
        %parallel_loop3A_352 = arith.index_cast %parallel_loop3A_272 : i32 to index
        %parallel_loop3A_353 = arith.constant 80 : index
        %parallel_loop3A_354 = tpu.vector_load %arg22[%parallel_loop3A_352, %parallel_loop3A_353] {strides = array<i32>} : memref<64x128xf32, #tpu.memory_space<vmem>>, vector<1x16xf32>,
        %parallel_loop3A_355 = vector.shape_cast %parallel_loop3A_354 : vector<1x16xf32> to vector<16xf32>
        %parallel_loop3A_356 = vector.shape_cast %parallel_loop3A_351 : vector<16xf32> to vector<1x16xf32>
        tpu.vector_store %arg22[%parallel_loop3A_352, %parallel_loop3A_353], %parallel_loop3A_356 {strides = array<i32>} : memref<64x128xf32, #tpu.memory_space<vmem>>, vector<1x16xf32>,
        %parallel_loop3A_357 = arith.index_cast %parallel_loop3A_272 : i32 to index
        %parallel_loop3A_358 = arith.constant 96 : index
        %parallel_loop3A_359 = tpu.vector_load %arg14[%parallel_loop3A_357, %parallel_loop3A_358] {strides = array<i32>} : memref<64x128xf32, #tpu.memory_space<vmem>>, vector<1x16xf32>,
        %parallel_loop3A_360 = vector.shape_cast %parallel_loop3A_359 : vector<1x16xf32> to vector<16xf32>
        %parallel_loop3A_361 = arith.index_cast %parallel_loop3A_272 : i32 to index
        %parallel_loop3A_362 = arith.constant 96 : index
        %parallel_loop3A_363 = tpu.vector_load %arg18[%parallel_loop3A_361, %parallel_loop3A_362] {strides = array<i32>} : memref<64x128xf32, #tpu.memory_space<vmem>>, vector<1x16xf32>,
        %parallel_loop3A_364 = vector.shape_cast %parallel_loop3A_363 : vector<1x16xf32> to vector<16xf32>
        %parallel_loop3A_365 = arith.subf %parallel_loop3A_360, %parallel_loop3A_364 : vector<16xf32>
        %parallel_loop3A_366 = arith.index_cast %parallel_loop3A_272 : i32 to index
        %parallel_loop3A_367 = arith.constant 96 : index
        %parallel_loop3A_368 = tpu.vector_load %arg22[%parallel_loop3A_366, %parallel_loop3A_367] {strides = array<i32>} : memref<64x128xf32, #tpu.memory_space<vmem>>, vector<1x16xf32>,
        %parallel_loop3A_369 = vector.shape_cast %parallel_loop3A_368 : vector<1x16xf32> to vector<16xf32>
        %parallel_loop3A_370 = vector.shape_cast %parallel_loop3A_365 : vector<16xf32> to vector<1x16xf32>
        tpu.vector_store %arg22[%parallel_loop3A_366, %parallel_loop3A_367], %parallel_loop3A_370 {strides = array<i32>} : memref<64x128xf32, #tpu.memory_space<vmem>>, vector<1x16xf32>,
        %parallel_loop3A_371 = arith.index_cast %parallel_loop3A_272 : i32 to index
        %parallel_loop3A_372 = arith.constant 112 : index
        %parallel_loop3A_373 = tpu.vector_load %arg14[%parallel_loop3A_371, %parallel_loop3A_372] {strides = array<i32>} : memref<64x128xf32, #tpu.memory_space<vmem>>, vector<1x16xf32>,
        %parallel_loop3A_374 = vector.shape_cast %parallel_loop3A_373 : vector<1x16xf32> to vector<16xf32>
        %parallel_loop3A_375 = arith.index_cast %parallel_loop3A_272 : i32 to index
        %parallel_loop3A_376 = arith.constant 112 : index
        %parallel_loop3A_377 = tpu.vector_load %arg18[%parallel_loop3A_375, %parallel_loop3A_376] {strides = array<i32>} : memref<64x128xf32, #tpu.memory_space<vmem>>, vector<1x16xf32>,
        %parallel_loop3A_378 = vector.shape_cast %parallel_loop3A_377 : vector<1x16xf32> to vector<16xf32>
        %parallel_loop3A_379 = arith.subf %parallel_loop3A_374, %parallel_loop3A_378 : vector<16xf32>
        %parallel_loop3A_380 = arith.index_cast %parallel_loop3A_272 : i32 to index
        %parallel_loop3A_381 = arith.constant 112 : index
        %parallel_loop3A_382 = tpu.vector_load %arg22[%parallel_loop3A_380, %parallel_loop3A_381] {strides = array<i32>} : memref<64x128xf32, #tpu.memory_space<vmem>>, vector<1x16xf32>,
        %parallel_loop3A_383 = vector.shape_cast %parallel_loop3A_382 : vector<1x16xf32> to vector<16xf32>
        %parallel_loop3A_384 = vector.shape_cast %parallel_loop3A_379 : vector<16xf32> to vector<1x16xf32>
        tpu.vector_store %arg22[%parallel_loop3A_380, %parallel_loop3A_381], %parallel_loop3A_384 {strides = array<i32>} : memref<64x128xf32, #tpu.memory_space<vmem>>, vector<1x16xf32>,
      } {sc.loop_unroll_factor = 4 : i64, sc.parallel_access}
      %mul3A_258 = arith.constant 64 : i32
      %mul3A_259 = arith.muli %add3A_230, %mul3A_258 : i32
      %add3A_260 = arith.addi %mul3A_2, %mul3A_259 : i32
      %dma_start3A_261 = arith.constant 0 : i32
      %dma_start3A_262 = tpu.memref_slice %arg7[%add3A_260, %dma_start3A_261] : memref<16384x128xf32, #tpu.memory_space<hbm>> -> memref<64x128xf32, #tpu.memory_space<hbm>>
      %dma_start3A_263 = arith.constant 0 : i32
      %dma_start3A_264 = tpu.memref_slice %arg7[%add3A_260, %dma_start3A_263] : memref<16384x128xf32, #tpu.memory_space<hbm>> -> memref<64x128xf32, #tpu.memory_space<hbm>>
      tpu.enqueue_dma source(%arg22 : memref<64x128xf32, #tpu.memory_space<vmem>>) target(%dma_start3A_264 : memref<64x128xf32, #tpu.memory_space<hbm>>) target_semaphore(%arg38 : memref<!tpu.dma_semaphore, #tpu.memory_space<semaphore_mem>>)
      %add3A_265 = arith.constant 1 : i32
      %add3A_266 = arith.addi %scan3A_94, %add3A_265 : i32
      %lt3A_267 = arith.constant 2 : i32
      %lt3A_268 = arith.cmpi slt, %add3A_266, %lt3A_267 : i32
      %convert_element_type3A_269 = arith.extui %lt3A_268 : i1 to i32
      %cond3A_270 = arith.constant 0 : i32
      %cond3A_271 = arith.cmpi ne, %convert_element_type3A_269, %cond3A_270 : i32
      scf.if %cond3A_271 {
        %add3A_272 = arith.constant 4 : i32
        %add3A_273 = arith.addi %add3A_230, %add3A_272 : i32
        %mul3A_274 = arith.constant 64 : i32
        %mul3A_275 = arith.muli %add3A_273, %mul3A_274 : i32
        %dma_start3A_276 = tpu.memref_slice %arg8[%mul3A_275] : memref<512xi32, #tpu.memory_space<vmem>> -> memref<64xi32, #tpu.memory_space<vmem>>
        %dma_start3A_277 = arith.constant 0 : i32
        %dma_start3A_278 = arith.constant 0 : i32
        %dma_start3A_279 = tpu.memref_slice %arg5[%dma_start3A_277, %dma_start3A_278] : memref<100000x128xf32, #tpu.memory_space<hbm>> -> memref<100000x128xf32, #tpu.memory_space<hbm>>
        tpu.enqueue_indirect_dma source(%dma_start3A_279 : memref<100000x128xf32, #tpu.memory_space<hbm>>) target(%arg14 : memref<64x128xf32, #tpu.memory_space<vmem>>) offsets(%dma_start3A_276 : memref<64xi32, #tpu.memory_space<vmem>>) semaphore(%arg26 : memref<!tpu.dma_semaphore, #tpu.memory_space<semaphore_mem>>)
        %add3A_280 = arith.constant 4 : i32
        %add3A_281 = arith.addi %add3A_230, %add3A_280 : i32
        %mul3A_282 = arith.constant 64 : i32
        %mul3A_283 = arith.muli %add3A_281, %mul3A_282 : i32
        %dma_start3A_284 = tpu.memref_slice %arg10[%mul3A_283] : memref<512xi32, #tpu.memory_space<vmem>> -> memref<64xi32, #tpu.memory_space<vmem>>
        %dma_start3A_285 = arith.constant 0 : i32
        %dma_start3A_286 = arith.constant 0 : i32
        %dma_start3A_287 = tpu.memref_slice %arg5[%dma_start3A_285, %dma_start3A_286] : memref<100000x128xf32, #tpu.memory_space<hbm>> -> memref<100000x128xf32, #tpu.memory_space<hbm>>
        tpu.enqueue_indirect_dma source(%dma_start3A_287 : memref<100000x128xf32, #tpu.memory_space<hbm>>) target(%arg18 : memref<64x128xf32, #tpu.memory_space<vmem>>) offsets(%dma_start3A_284 : memref<64xi32, #tpu.memory_space<vmem>>) semaphore(%arg30 : memref<!tpu.dma_semaphore, #tpu.memory_space<semaphore_mem>>)
      } else {
      }
    }
    %scan3A_69 = arith.constant 2 : i32
    %add3A_70 = arith.constant 256 : i32
    %add3A_71 = arith.addi %mul3A_2, %add3A_70 : i32
    %dma_wait3A_72 = arith.constant 0 : i32
    %dma_wait3A_73 = tpu.memref_slice %arg7[%add3A_71, %dma_wait3A_72] : memref<16384x128xf32, #tpu.memory_space<hbm>> -> memref<64x128xf32, #tpu.memory_space<hbm>>
    %dma_wait3A_74 = arith.constant 0 : i32
    %dma_wait3A_75 = tpu.memref_slice %arg7[%add3A_71, %dma_wait3A_74] : memref<16384x128xf32, #tpu.memory_space<hbm>> -> memref<64x128xf32, #tpu.memory_space<hbm>>
    tpu.wait_dma2 semaphore(%arg35 : memref<!tpu.dma_semaphore, #tpu.memory_space<semaphore_mem>>) src(%arg19 : memref<64x128xf32, #tpu.memory_space<vmem>>) dst(%dma_wait3A_75 : memref<64x128xf32, #tpu.memory_space<hbm>>)
    %add3A_76 = arith.constant 320 : i32
    %add3A_77 = arith.addi %mul3A_2, %add3A_76 : i32
    %dma_wait3A_78 = arith.constant 0 : i32
    %dma_wait3A_79 = tpu.memref_slice %arg7[%add3A_77, %dma_wait3A_78] : memref<16384x128xf32, #tpu.memory_space<hbm>> -> memref<64x128xf32, #tpu.memory_space<hbm>>
    %dma_wait3A_80 = arith.constant 0 : i32
    %dma_wait3A_81 = tpu.memref_slice %arg7[%add3A_77, %dma_wait3A_80] : memref<16384x128xf32, #tpu.memory_space<hbm>> -> memref<64x128xf32, #tpu.memory_space<hbm>>
    tpu.wait_dma2 semaphore(%arg36 : memref<!tpu.dma_semaphore, #tpu.memory_space<semaphore_mem>>) src(%arg20 : memref<64x128xf32, #tpu.memory_space<vmem>>) dst(%dma_wait3A_81 : memref<64x128xf32, #tpu.memory_space<hbm>>)
    %add3A_82 = arith.constant 384 : i32
    %add3A_83 = arith.addi %mul3A_2, %add3A_82 : i32
    %dma_wait3A_84 = arith.constant 0 : i32
    %dma_wait3A_85 = tpu.memref_slice %arg7[%add3A_83, %dma_wait3A_84] : memref<16384x128xf32, #tpu.memory_space<hbm>> -> memref<64x128xf32, #tpu.memory_space<hbm>>
    %dma_wait3A_86 = arith.constant 0 : i32
    %dma_wait3A_87 = tpu.memref_slice %arg7[%add3A_83, %dma_wait3A_86] : memref<16384x128xf32, #tpu.memory_space<hbm>> -> memref<64x128xf32, #tpu.memory_space<hbm>>
    tpu.wait_dma2 semaphore(%arg37 : memref<!tpu.dma_semaphore, #tpu.memory_space<semaphore_mem>>) src(%arg21 : memref<64x128xf32, #tpu.memory_space<vmem>>) dst(%dma_wait3A_87 : memref<64x128xf32, #tpu.memory_space<hbm>>)
    %add3A_88 = arith.constant 448 : i32
    %add3A_89 = arith.addi %mul3A_2, %add3A_88 : i32
    %dma_wait3A_90 = arith.constant 0 : i32
    %dma_wait3A_91 = tpu.memref_slice %arg7[%add3A_89, %dma_wait3A_90] : memref<16384x128xf32, #tpu.memory_space<hbm>> -> memref<64x128xf32, #tpu.memory_space<hbm>>
    %dma_wait3A_92 = arith.constant 0 : i32
    %dma_wait3A_93 = tpu.memref_slice %arg7[%add3A_89, %dma_wait3A_92] : memref<16384x128xf32, #tpu.memory_space<hbm>> -> memref<64x128xf32, #tpu.memory_space<hbm>>
    tpu.wait_dma2 semaphore(%arg38 : memref<!tpu.dma_semaphore, #tpu.memory_space<semaphore_mem>>) src(%arg22 : memref<64x128xf32, #tpu.memory_space<vmem>>) dst(%dma_wait3A_93 : memref<64x128xf32, #tpu.memory_space<hbm>>)
    return
  }
}

</mosaic_0001>

<sc_bundles>
// kernel: kernel.3.cloned.1.call-start
scs
__scs_entry_jumppad:
0x0: {  	(pc) =	sbr.rel $0x88, $3  }
0x1: {  	(tag) =	ssettag $0x0;
	lr =	simm.s32 $0x1  }
0x2: {  	[smem:$0x3F9C] =	sst lr;
	_ =	strace $0xD0000000  }
0x3: {  	_ = 	snop  }
0x4: {  	_ = 	snop  }
0x5: {  	_ = 	snop  }
0x6: {  	_ = 	snop  }
0x7: {  	_ = 	snop  }
__scs_overlays_trampoline_lowered:
0x8: {  	[smem:$0x3FAB] =	sst s0  }
0x9: {  	[smem:$0x3FAC] =	sst s1  }
0xa: {  	[smem:$0x3FAD] =	sst s2  }
0xb: {  	[smem:$0x3FAE] =	sst s3  }
0xc: {  	[smem:$0x3FAF] =	sst s4  }
0xd: {  	[smem:$0x3FB0] =	sst s5  }
0xe: {  	[smem:$0x3FB1] =	sst s6  }
0xf: {  	[smem:$0x3FB2] =	sst s7  }
0x10: {  	[smem:$0x3FB3] =	sst s8  }
0x11: {  	[smem:$0x3FB4] =	sst s9;
	s0 =	simm.s32 @!p0 $0x0  }
0x12: {  	s1 =	sld [smem:$0x3F9A];
	s0 =	simm.s32 @p0 $0x1  }
0x13: {  	[smem:$0x3FB5] =	sst s0;
	s0 =	simm.s32 @!p1 $0x0  }
0x14: {  	s2 =	sld [smem:$0x3F99];
	s0 =	simm.s32 @p1 $0x1  }
0x15: {  	[smem:$0x3FB6] =	sst s0;
	s0 =	simm.s32 @!p2 $0x0  }
0x16: {  	s3 =	sld [smem:$0x3FDB];
	s0 =	simm.s32 @p2 $0x1  }
0x17: {  	s4 =	simm.s32 $0x1BF5;
	[smem:$0x3FB8] =	sst s0  }
0x18: {  	s0 =	sld [smem:$0x3F9B];
	_ =	swait.ge [sflag:s4], $0x0  }
0x19: {  	s7 =	sld [smem:$0x3F9C]  }
0x1a: {  	s8 =	sadd.s32 $0xFFFFE003, lr  }
0x1b: {  	s9 =	sadd.s32 $0xFFFFFEF7, lr;
	s5 =	simm.s32 $0xFFFFFFFF;
	p2 =	slt.u32 s8, $0xFFFFF086  }
0x1c: {  	p1 =	slt.u32 s9, $0xF7A;
	s5 =	simm.s32 @!p2 $0x0  }
0x1d: {  	s5 =	simm.s32 @p1 $0x1;
	p0 =	seq.s32 s7, s2  }
0x1e: {  	s7 =	smul.u32 @!p0 $0xF7A, s2;
	p2 =	seq.s32 @!p0 s5, $0x0  }
0x1f: {  	s9 =	smul.u32 $0xF7A, s1;
	s8 =	simm.s32 @!p0 $0x1BF5;
	p2 =	por !p2, p0  }
0x20: {  	[sflag:s8] =	ssyncset.s32 @!p0 $0xFFFFF086;
	s6 =	sadd.s32 @!p0 s3, s7;
	s7 =	simm.s32 @!p0 $0x108  }
0x21: {  	s3 =	sadd.s32 s3, s9;
	s6 =	sadd.s32 @!p0 $0x88, s6;
	s7 =	simm.s32 @p2 $0x1082  }
0x22: {  	[simem:s7], [sflag:s8] =	dma.local @!p0 [hbm:s6], $0xF7A  }
0x23: {  	s9 =	sor.u32 $0xD0000000, s2;
	s6 =	simm.s32 $0x108;
	_ =	swait.ge @!p0 [sflag:s8], $0x0  }
0x24: {  	s3 =	sadd.s32 $0x88, s3;
	s6 =	simm.s32 @!p1 $0x1082;
	[sflag:s4] =	ssyncset.s32 $0xFFFFF086  }
0x25: {  	[simem:s6], [sflag:s4] =	dma.local [hbm:s3], $0xF7A  }
0x26: {  	[smem:$0x3F9C] =	sst s1;
	(tag) =	ssettag s2;
	_ =	strace s9  }
0x27: {  	s1 =	sld [smem:$0x3FAC]  }
0x28: {  	s2 =	sld [smem:$0x3FAD]  }
0x29: {  	s4 =	sld [smem:$0x3FAF]  }
0x2a: {  	p0 =	seq.s32 s5, $0x0;
	s5 =	sld [smem:$0x3FB0]  }
0x2b: {  	s6 =	sld [smem:$0x3FB1]  }
0x2c: {  	s7 =	sld [smem:$0x3FB2]  }
0x2d: {  	s3 =	simm.s32 $0x108;
	s8 =	sld [smem:$0x3FB3]  }
0x2e: {  	s3 =	simm.s32 @!p0 $0x1082;
	s9 =	sld [smem:$0x3FB4]  }
0x2f: {  	lr =	sadd.s32 s0, s3;
	s0 =	sld [smem:$0x3FAB]  }
0x30: {  	s3 =	sld [smem:$0x3FAE]  }
0x31: {  	[smem:$0x3FB7] =	sst s10  }
0x32: {  	s10 =	sld [smem:$0x3FB5];
	_ =	sdelay $0x3  }
0x33: {  	p0 =	seq.s32 s10, $0x1;
	s10 =	sld [smem:$0x3FB7];
	_ =	sdelay $0x3  }
0x34: {  	[smem:$0x3FB7] =	sst s10  }
0x35: {  	s10 =	sld [smem:$0x3FB6];
	_ =	sdelay $0x3  }
0x36: {  	p1 =	seq.s32 s10, $0x1;
	s10 =	sld [smem:$0x3FB7];
	_ =	sdelay $0x3  }
0x37: {  	[smem:$0x3FB7] =	sst s10  }
0x38: {  	s10 =	sld [smem:$0x3FB8]  }
0x39: {  	_ = 	snop;
	(pc) =	sbr.ind lr, $3  }
0x3a: {  	_ = 	snop  }
0x3b: {  	_ = 	snop  }
0x3c: {  	p2 =	seq.s32 s10, $0x1;
	s10 =	sld [smem:$0x3FB7]  }
0x3d: {  	_ =	shalt  }
0x3e: {  	_ =	shalt  }
0x3f: {  	_ =	shalt  }
0x40: {  	_ =	shalt  }
0x41: {  	_ =	shalt  }
0x42: {  	_ =	shalt  }
0x43: {  	_ =	shalt  }
0x44: {  	_ =	shalt  }
0x45: {  	_ =	shalt  }
0x46: {  	_ =	shalt  }
0x47: {  	_ =	shalt  }
0x48: {  	_ =	shalt  }
0x49: {  	_ =	shalt  }
0x4a: {  	_ =	shalt  }
0x4b: {  	_ =	shalt  }
0x4c: {  	_ =	shalt  }
0x4d: {  	_ =	shalt  }
0x4e: {  	_ =	shalt  }
0x4f: {  	_ =	shalt  }
0x50: {  	_ =	shalt  }
0x51: {  	_ =	shalt  }
0x52: {  	_ =	shalt  }
0x53: {  	_ =	shalt  }
0x54: {  	_ =	shalt  }
0x55: {  	_ =	shalt  }
0x56: {  	_ =	shalt  }
0x57: {  	_ =	shalt  }
0x58: {  	_ =	shalt  }
0x59: {  	_ =	shalt  }
0x5a: {  	_ =	shalt  }
0x5b: {  	_ =	shalt  }
0x5c: {  	_ =	shalt  }
0x5d: {  	_ =	shalt  }
0x5e: {  	_ =	shalt  }
0x5f: {  	_ =	shalt  }
0x60: {  	_ =	shalt  }
0x61: {  	_ =	shalt  }
0x62: {  	_ =	shalt  }
0x63: {  	_ =	shalt  }
0x64: {  	_ =	shalt  }
0x65: {  	_ =	shalt  }
0x66: {  	_ =	shalt  }
0x67: {  	_ =	shalt  }
0x68: {  	_ =	shalt  }
0x69: {  	_ =	shalt  }
0x6a: {  	_ =	shalt  }
0x6b: {  	_ =	shalt  }
0x6c: {  	_ =	shalt  }
0x6d: {  	_ =	shalt  }
0x6e: {  	_ =	shalt  }
0x6f: {  	_ =	shalt  }
0x70: {  	_ =	shalt  }
0x71: {  	_ =	shalt  }
0x72: {  	_ =	shalt  }
0x73: {  	_ =	shalt  }
0x74: {  	_ =	shalt  }
0x75: {  	_ =	shalt  }
0x76: {  	_ =	shalt  }
0x77: {  	_ =	shalt  }
0x78: {  	_ =	shalt  }
0x79: {  	_ =	shalt  }
0x7a: {  	_ =	shalt  }
0x7b: {  	_ =	shalt  }
0x7c: {  	_ =	shalt  }
0x7d: {  	_ =	shalt  }
0x7e: {  	_ =	shalt  }
0x7f: {  	_ =	shalt  }
0x80: {  	_ =	shalt  }
0x81: {  	_ =	shalt  }
0x82: {  	_ =	shalt  }
0x83: {  	_ =	shalt  }
0x84: {  	_ =	shalt  }
0x85: {  	_ =	shalt  }
0x86: {  	_ =	shalt  }
0x87: {  	_ =	shalt  }
.Lfunc_end0:
.L_simem_size_0:
called_computation_lowered:
.L_overlay_start_0:
0x88: {  	s2 =	sld [smem:$0x3FD9]  }
0x89: {  	s3 =	sld [smem:$0x3FFE];
	_ =	sdelay $0x1  }
0x8a: {  	s1 =	srdreg.scid  }
0x8b: {  	s0 =	sand.u32 $0x1, s1  }
0x8c: {  	s18 =	sshll.u32 s0, $0xA;
	s2 =	sadd.s32 s3, s2  }
0x8d: {  	s2 =	sadd.s32 s2, s18  }
0x8e: {  	[smem:$0x3FC3] =	sst s2  }
0x8f: {  	_ = 	snop  }
0x90: {  	s2 =	sld [smem:$0x3FC9]  }
0x91: {  	s19 =	sld [smem:$0x3FC8]  }
0x92: {  	s4 =	sld [smem:$0x3FC7]  }
0x93: {  	s5 =	sld [smem:$0x3FC6]  }
0x94: {  	s6 =	sld [smem:$0x3FC5]  }
0x95: {  	s7 =	sld [smem:$0x3FD0];
	(tm) =	ssettm $0x1  }
0x96: {  	s8 =	sld [smem:$0x3FFB];
	_ =	sdelay $0x3  }
0x97: {  	_ =	strace s8  }
0x98: {  	s8 =	sld [smem:$0x3FFC];
	_ =	sdelay $0x3  }
0x99: {  	_ =	strace s8  }
0x9a: {  	s8 =	sld [smem:$0x3FFD];
	_ =	sdelay $0x3  }
0x9b: {  	_ =	strace s8  }
0x9c: {  	_ =	strace $0x8FFFFFFF  }
0x9d: {  	s20 =	sld [smem:$0x3FDB];
	_ =	sdelay $0x1  }
0x9e: {  	s9 =	simm.s32 $_scs_section_size  }
0x9f: {  	s10 =	simm.s32 $_size__tile_overlayer_lowered;
	s11 =	simm.s32 $_tile_overlayer_lowered  }
0xa0: {  	s23 =	simm.s32 $0x1BFF;
	s22 =	sshll.u32 s11, $0x1;
	s8 =	sadd.s32 s9, s20  }
0xa1: {  	s12 =	simm.s32 $0x0;
	s21 =	sshll.u32 s10, $0x1;
	s10 =	sadd.s32 s22, s8  }
0xa2: {  	[timem:s12], [sflag:s23] =	dma.local [hbm:s10], s21  }
0xa3: {  	_ =	swait.ge [sflag:s23], s21  }
0xa4: {  	s9 =	ssub.s32 $0x0, s21;
	[sflag:s23] =	ssyncset.done $0x0  }
0xa5: {  	[sflag:s23] =	ssyncadd.s32 s9;
	_ =	sdelay $0x1  }
0xa6: {  	s24 =	simm.s32 $0x1B8B  }
0xa7: {  	_ =	swait.ge [sflag:s24], $0x1  }
0xa8: {  	[sflag:s24] =	ssyncset.done $0x0  }
0xa9: {  	s25 =	simm.s32 $0x1B8E;
	[sflag:s24] =	ssyncadd.s32 $0xFFFFFFFF  }
0xaa: {  	s26 =	simm.s32 $execute0_lowered;
	[smem:$0x3FD2] =	sst s25  }
0xab: {  	s9 =	sshll.u32 s26, $0x1;
	_ =	strace $0x80000046;
	[dreg:$0x1] =	wrdreg $0xFFFFFFFF  }
0xac: {  	s28 =	simm.s32 $_size_execute0_lowered;
	s8 =	sadd.s32 s8, s9;
	[dreg:$0x0] =	wrdreg $0x0  }
0xad: {  	s9 =	sshll.u32 s28, $0x1;
	[dreg:$0x2] =	wrdreg s8  }
0xae: {  	[dreg:$0x3] =	wrdreg s9  }
0xaf: {  	[dreg:$0x4] =	wrdreg $0xC0  }
0xb0: {  	_ =	task [dreg:s12], $0x5FFFF  }
0xb1: {  	[dreg:$0x1] =	wrdreg $0xFFFFFFFF  }
0xb2: {  	[dreg:$0x0] =	wrdreg $0x60  }
0xb3: {  	[dreg:$0x2] =	wrdreg s2  }
0xb4: {  	[dreg:$0x3] =	wrdreg s19  }
0xb5: {  	[dreg:$0x4] =	wrdreg s4  }
0xb6: {  	[dreg:$0x5] =	wrdreg s5  }
0xb7: {  	[dreg:$0x6] =	wrdreg s6  }
0xb8: {  	[dreg:$0x7] =	wrdreg s7  }
0xb9: {  	[dreg:$0x8] =	wrdreg $0x186000  }
0xba: {  	[dreg:$0x9] =	wrdreg $0x9  }
0xbb: {  	_ =	task.clear_ibuf [dreg:s12], $0xAFFFF;
	_ =	strace $0x90000046  }
0xbc: {  	s29 =	simm.s32 $0x9;
	_ =	strace $0x80000048  }
0xbd: {  	_ =	swait.ge [sflag:s29], $0x1  }
0xbe: {  	[sflag:s29] =	ssyncadd.s32 $0xFFFFFFFF  }
0xbf: {  	_ =	strace $0x90000048  }
0xc0: {  	_ =	sfence  }
0xc1: {  	s30 =	sld [smem:$0x0];
	_ =	sdelay $0x2  }
0xc2: {  	s31 =	sshll.u32 s1, $0xD;
	s1 =	sshrl.u32 s1, $0x2  }
0xc3: {  	s3 =	sand.u32 $0x4000, s31;
	s1 =	sadd.s32 s1, s30  }
0xc4: {  	s0 =	sor.u32 s3, s0;
	s1 =	sshll.u32 s1, $0x11  }
0xc5: {  	s0 =	sor.u32 s1, s0  }
0xc6: {  	s0 =	sadd.s32 $0x8F2B, s0  }
0xc7: {  	[sflag:s0] =	ssyncadd.remote.s32 $0x1  }
0xc8: {  	_ =	sfence.sel $0xFFFF  }
0xc9: {  	[dreg:$0x0] =	wrdreg $0xFFFFFFFF;
	(pc) =	sbr.abs _section_cstart, $3  }
0xca: {  	[dreg:$0x1] =	wrdreg $0xFFFFFFFF  }
0xcb: {  	_ =	task.clear_ibuf [dreg:s12], $0x2FFFF;
	_ =	strace $0x9FFFFFFF  }
0xcc: {  	(tm) =	ssettm $0x7FFFFFFF  }
0xcd: {  	_ =	shalt  }
tec
execute0_lowered:
.L_overlay_start_1:
0x0: {  	(tag) =	ssettag $0x1  }
0x1: {  	s1 =	rddreg [dreg:$0x0]  }
0x2: {  	s2 =	rddreg [dreg:$0x1]  }
0x3: {  	s5 =	rddreg [dreg:$0x2]  }
0x4: {  	s0 =	rddreg [dreg:$0x3]  }
0x5: {  	s6 =	rddreg [dreg:$0x5]  }
0x6: {  	s4 =	srdreg.scid;
	s3 =	rddreg [dreg:$0x6]  }
0x7: {  	s7 =	stileid.u32;
	s13 =	simm.s32 $0x5;
	s14 =	simm.s32 $0x40  }
0x8: {  	s17 =	simm.s32 $0x2600;
	s21 =	simm.s32 $0x4600;
	s29 =	simm.s32 $0x9  }
0x9: {  	s30 =	simm.s32 $0x2;
	s16 =	simm.s32 $0x6;
	s19 =	simm.s32 $0x4  }
0xa: {  	s20 =	simm.s32 $0xB;
	s22 =	simm.s32 $0x7;
	s23 =	simm.s32 $0x14600  }
0xb: {  	s8 =	sand.u32 $0x1, s4;
	s9 =	sshll.u32 s7, $0xA;
	s4 =	simm.s32 $0x0  }
0xc: {  	p0 =	sne.s32 s7, $0x0;
	s7 =	simm.s32 $0x0;
	s10 =	sshll.u32 s8, $0x9  }
0xd: {  	s8 =	ssub.s32 $0x2, s8;
	[smem:$0x7FF] =	sst s4;
	s9 =	sor.u32 s10, s9  }
0xe: {  	s24 =	sshrl.u32 s8, $0x1;
	_ =	strace $0x80000047;
	s11 =	sshrl.u32 s9, $0x3  }
0xf: {  	s10 =	ssub.s32 s8, s24;
	s28 =	sshll.u32 s9, $0x4;
	s1 =	sadd.s32 s1, s11  }
.Ltmp0:
0x10: {  	s25 =	sadd.s32 s2, s11;
	[dreg:$0x8] =	wrdreg s1;
	(pc) =	sbr.rel .LBB2_1-.Ltmp0, $4  }
0x11: {  	s24 =	simm.s32 $0xC;
	s26 =	sadd.s32 s5, s11;
	[dreg:$0x9] =	wrdreg s25  }
0x12: {  	s8 =	sadd.s32 s6, s28;
	s31 =	smax.u32 s10, $0x1;
	[dreg:$0xa] =	wrdreg s26  }
0x13: {  	s2 =	simm.s32 $0x3;
	s10 =	simm.s32 $0x16600;
	[dreg:$0xb] =	wrdreg s31  }
0x14: {  	s25 =	simm.s32 $0x6600;
	s1 =	simm.s32 $0xA;
	s26 =	simm.s32 $0x8  }
.LBB2_12:
0x15: {  	s5 =	simm.s32 $0xD  }
0x16: {  	_ =	swait.ge [sflag:s5], $0x2000  }
0x17: {  	[sflag:s5] =	ssyncset.done $0x0  }
0x18: {  	s18 =	simm.s32 $0xE;
	[sflag:s5] =	ssyncadd.s32 $0xFFFFE000  }
0x19: {  	_ =	swait.ge [sflag:s18], $0x2000  }
0x1a: {  	[sflag:s18] =	ssyncset.done $0x0  }
0x1b: {  	s28 =	simm.s32 $0xF;
	[sflag:s18] =	ssyncadd.s32 $0xFFFFE000  }
0x1c: {  	_ =	swait.ge [sflag:s28], $0x2000  }
0x1d: {  	[sflag:s28] =	ssyncset.done $0x0  }
0x1e: {  	s6 =	simm.s32 $0x10;
	[sflag:s28] =	ssyncadd.s32 $0xFFFFE000  }
0x1f: {  	_ =	swait.ge [sflag:s6], $0x2000  }
0x20: {  	s7 =	rddreg [dreg:$0xc]  }
0x21: {  	s31 =	rddreg [dreg:$0xb];
	s7 =	sadd.s32 $0x1, s7  }
0x22: {  	p1 =	sne.s32 s7, s31  }
.Ltmp1:
0x23: {  	_ = 	snop;
	(pc) =	sbr.rel @!p1 .LBB2_13-.Ltmp1, $3  }
0x24: {  	_ =	sdelay $0x1  }
0x25: {  	[sflag:s6] =	ssyncset.done $0x0  }
0x26: {  	[sflag:s6] =	ssyncadd.s32 $0xFFFFE000  }
.LBB2_1:
0x27: {  	[dreg:$0xc] =	wrdreg s7  }
0x28: {  	s5 =	rddreg [dreg:$0x8]  }
0x29: {  	[tilespmem:s4], [sflag:$0x1] =	stream.linear.gather [hbm4b:s5+s4], $0x200, $0x38;
	[tilespmem:$0x1A540] =	vst v63  }
0x2a: {  	s12 =	rddreg [dreg:$0x9];
	s9 =	simm.s32 $0x200  }
0x2b: {  	[tilespmem:s9], [sflag:$0x9] =	stream.linear.gather [hbm4b:s12+s4], $0x200, $0x38;
	[tilespmem:$0x1A540] =	vst v63  }
0x2c: {  	s15 =	rddreg [dreg:$0xa];
	s6 =	simm.s32 $0x400;
	s11 =	simm.s32 $0x1  }
0x2d: {  	[tilespmem:s6], [sflag:$0x5] =	stream.linear.gather [hbm4b:s15+s4], $0x200, $0x38;
	[tilespmem:$0x1A540] =	vst v63  }
0x2e: {  	_ =	swait.ge [sflag:s11], $0x200  }
0x2f: {  	[sflag:s11] =	ssyncset.done $0x0  }
0x30: {  	[sflag:s11] =	ssyncadd.s32 $0xFFFFFE00  }
0x31: {  	_ =	swait.ge [sflag:s13], $0x200  }
0x32: {  	[sflag:s13] =	ssyncset.done $0x0  }
0x33: {  	s12 =	simm.s32 $0x600;
	[sflag:s13] =	ssyncadd.s32 $0xFFFFFE00  }
0x34: {  	[tilespmem:s12], [sflag:$0x1] =	stream.indirect.gather [hbm4b:s0+s14], $0x80, s4, s14, $0xb8;
	[tilespmem:$0x1A540] =	vst v63  }
0x35: {  	s18 =	simm.s32 $0x8600  }
0x36: {  	[tilespmem:s18], [sflag:$0x5] =	stream.indirect.gather [hbm4b:s0+s14], $0x80, s6, s14, $0xb8;
	[tilespmem:$0x1A540] =	vst v63  }
0x37: {  	_ = 	snop  }
0x38: {  	[tilespmem:s17], [sflag:$0x2] =	stream.indirect.gather [hbm4b:s0+s14], $0x80, s14, s14, $0xb8;
	[tilespmem:$0x1A540] =	vst v63  }
0x39: {  	s28 =	simm.s32 $0x440;
	s31 =	simm.s32 $0xA600  }
0x3a: {  	[tilespmem:s31], [sflag:$0x6] =	stream.indirect.gather [hbm4b:s0+s14], $0x80, s28, s14, $0xb8;
	[tilespmem:$0x1A540] =	vst v63  }
0x3b: {  	s6 =	simm.s32 $0x80  }
0x3c: {  	[tilespmem:s21], [sflag:$0x3] =	stream.indirect.gather [hbm4b:s0+s14], $0x80, s6, s14, $0xb8;
	[tilespmem:$0x1A540] =	vst v63  }
0x3d: {  	s7 =	simm.s32 $0x480;
	s15 =	simm.s32 $0xC600  }
0x3e: {  	[tilespmem:s15], [sflag:$0x7] =	stream.indirect.gather [hbm4b:s0+s14], $0x80, s7, s14, $0xb8;
	[tilespmem:$0x1A540] =	vst v63  }
0x3f: {  	s5 =	sshrl.u32 @!p0 s3, $0x3;
	s18 =	simm.s32 $0xC0;
	s28 =	simm.s32 $0x4C0  }
0x40: {  	[tilespmem:s25], [sflag:$0x4] =	stream.indirect.gather [hbm4b:s0+s14], $0x80, s18, s14, $0xb8;
	[tilespmem:$0x1A540] =	vst v63  }
0x41: {  	s31 =	simm.s32 $0xE600;
	s6 =	simm.s32 @!p0 $0x1C11;
	s7 =	rddreg [dreg:$0x4]  }
0x42: {  	[tilespmem:s31], [sflag:$0x8] =	stream.indirect.gather [hbm4b:s0+s14], $0x80, s28, s14, $0xb8;
	[tilespmem:$0x1A540] =	vst v63  }
0x43: {  	[spmem:s5], [sflag:s6] =	dma.local @!p0 [hbm:s7], $0x3E80  }
0x44: {  	s5 =	simm.s32 @!p0 $0x11  }
0x45: {  	_ =	swait.ge @!p0 [sflag:s5], $0x3E80  }
0x46: {  	[sflag:s5] =	ssyncset.done @!p0 $0x0  }
0x47: {  	[sflag:s5] =	ssyncadd.s32 @!p0 $0xFFFFC180  }
0x48: {  	[bflag:$0x0] =	sbarrier.arrive $0xFFFF  }
0x49: {  	_ =	swait.ge [sflag:s29], $0x200  }
0x4a: {  	[sflag:s29] =	ssyncset.done $0x0  }
0x4b: {  	[sflag:s29] =	ssyncadd.s32 $0xFFFFFE00  }
0x4c: {  	_ =	swait.ge [sflag:s11], $0x2000  }
0x4d: {  	[sflag:s11] =	ssyncset.done $0x0  }
0x4e: {  	[sflag:s11] =	ssyncadd.s32 $0xFFFFE000  }
0x4f: {  	[tilespmem:s12], [sflag:$0x9] =	stream.indirect.gather.add.f32 [spmem:s3], $0x80, s9, s14, $0xb8;
	[tilespmem:$0x1A540] =	vst v63  }
0x50: {  	p1 =	por $0x1, $0x1;
	p2 =	por $0x0, $0x0;
	s9 =	simm.s32 $0x0  }
.LBB2_2:
0x51: {  	s6 =	sshll.u32 s9, $0x2  }
0x52: {  	s7 =	sor.u32 $0x1, s6  }
0x53: {  	_ =	swait.ge [sflag:s30], $0x2000;
	s5 =	sshll.u32 s7, $0x6  }
0x54: {  	[sflag:s30] =	ssyncset.done $0x0;
	s5 =	sand.u32 $0x3FFFFF40, s5  }
0x55: {  	[sflag:s30] =	ssyncadd.s32 $0xFFFFE000;
	s5 =	sadd.s32 $0x200, s5  }
0x56: {  	[tilespmem:s17], [sflag:$0xA] =	stream.indirect.gather.add.f32 [spmem:s3], $0x80, s5, s14, $0xb8;
	[tilespmem:$0x1A540] =	vst v63  }
0x57: {  	_ =	swait.ge [sflag:s29], $0x2000  }
0x58: {  	[sflag:s29] =	ssyncset.done $0x0  }
0x59: {  	[sflag:s29] =	ssyncadd.s32 $0xFFFFE000  }
0x5a: {  	_ =	swait.ge [sflag:s13], $0x2000  }
0x5b: {  	[sflag:s13] =	ssyncset.done $0x0  }
0x5c: {  	s5 =	simm.s32 @p2 $0xD;
	[sflag:s13] =	ssyncadd.s32 $0xFFFFE000  }
0x5d: {  	_ =	swait.ge @p2 [sflag:s5], $0x2000  }
0x5e: {  	[sflag:s5] =	ssyncset.done @p2 $0x0  }
0x5f: {  	s12 =	simm.s32 $0x700;
	[sflag:s5] =	ssyncadd.s32 @p2 $0xFFFFE000  }
0x60: {  	s5 =	simm.s32 $0x8700;
	v0 =	vld [tilespmem:s12+$0x80]  }
0x61: {  	v1 =	vld [tilespmem:s5+$0x80];
	_ =	sdelay $0x2  }
0x62: {  	v2 =	vld [tilespmem:s12+$0xFFFFFF80]  }
0x63: {  	v3 =	vld [tilespmem:s5+$0xFFFFFF80]  }
0x64: {  	v4 =	vld [tilespmem:s5+$0xFFFFFF00];
	v0 =	vsub.f32 v0, v1  }
0x65: {  	s11 =	simm.s32 $0x10700;
	v1 =	vld [tilespmem:s12+$0xFFFFFF00]  }
0x66: {  	[tilespmem:s11+$0x80] =	vst v0  }
0x67: {  	v0 =	vld [tilespmem:s12+$0x90]  }
0x68: {  	v2 =	vsub.f32 v2, v3;
	v3 =	vld [tilespmem:s5+$0x90]  }
0x69: {  	v5 =	vld [tilespmem:s12+$0x0]  }
0x6a: {  	v6 =	vld [tilespmem:s5+$0x0];
	[tilespmem:s11+$0xFFFFFF80] =	vst v2;
	v1 =	vsub.f32 v1, v4  }
0x6b: {  	v2 =	vld [tilespmem:s12+$0xFFFFFF90]  }
0x6c: {  	v4 =	vld [tilespmem:s5+$0xFFFFFF90];
	[tilespmem:s11+$0xFFFFFF00] =	vst v1  }
0x6d: {  	v1 =	vld [tilespmem:s12+$0xFFFFFF10];
	v0 =	vsub.f32 v0, v3  }
0x6e: {  	v3 =	vld [tilespmem:s5+$0xFFFFFF10]  }
0x6f: {  	v5 =	vsub.f32 v5, v6;
	[tilespmem:s11+$0x90] =	vst v0  }
0x70: {  	v0 =	vld [tilespmem:s12+$0xA0]  }
0x71: {  	[tilespmem:s11+$0x0] =	vst v5;
	v2 =	vsub.f32 v2, v4;
	v4 =	vld [tilespmem:s5+$0xA0]  }
0x72: {  	v5 =	vld [tilespmem:s12+$0x10]  }
0x73: {  	v6 =	vld [tilespmem:s5+$0x10];
	[tilespmem:s11+$0xFFFFFF90] =	vst v2;
	v1 =	vsub.f32 v1, v3  }
0x74: {  	v2 =	vld [tilespmem:s12+$0xFFFFFFA0]  }
0x75: {  	v3 =	vld [tilespmem:s5+$0xFFFFFFA0];
	[tilespmem:s11+$0xFFFFFF10] =	vst v1  }
0x76: {  	v1 =	vld [tilespmem:s12+$0xFFFFFF20];
	v0 =	vsub.f32 v0, v4  }
0x77: {  	v4 =	vld [tilespmem:s5+$0xFFFFFF20]  }
0x78: {  	v5 =	vsub.f32 v5, v6;
	[tilespmem:s11+$0xA0] =	vst v0  }
0x79: {  	v0 =	vld [tilespmem:s12+$0xB0]  }
0x7a: {  	[tilespmem:s11+$0x10] =	vst v5;
	v2 =	vsub.f32 v2, v3;
	v3 =	vld [tilespmem:s5+$0xB0]  }
0x7b: {  	v5 =	vld [tilespmem:s12+$0x20]  }
0x7c: {  	[tilespmem:s11+$0xFFFFFFA0] =	vst v2;
	v2 =	vld [tilespmem:s5+$0x20];
	v1 =	vsub.f32 v1, v4  }
0x7d: {  	v4 =	vld [tilespmem:s12+$0xFFFFFFB0]  }
0x7e: {  	v6 =	vld [tilespmem:s5+$0xFFFFFFB0];
	[tilespmem:s11+$0xFFFFFF20] =	vst v1  }
0x7f: {  	v1 =	vld [tilespmem:s12+$0xFFFFFF30];
	v0 =	vsub.f32 v0, v3  }
0x80: {  	v3 =	vld [tilespmem:s5+$0xFFFFFF30]  }
0x81: {  	v2 =	vsub.f32 v5, v2;
	[tilespmem:s11+$0xB0] =	vst v0  }
0x82: {  	v0 =	vld [tilespmem:s12+$0xC0]  }
0x83: {  	v4 =	vsub.f32 v4, v6;
	[tilespmem:s11+$0x20] =	vst v2;
	v2 =	vld [tilespmem:s5+$0xC0]  }
0x84: {  	v5 =	vld [tilespmem:s12+$0x30]  }
0x85: {  	[tilespmem:s11+$0xFFFFFFB0] =	vst v4;
	v1 =	vsub.f32 v1, v3;
	v3 =	vld [tilespmem:s5+$0x30]  }
0x86: {  	v4 =	vld [tilespmem:s12+$0xFFFFFFC0]  }
0x87: {  	[tilespmem:s11+$0xFFFFFF30] =	vst v1;
	v1 =	vld [tilespmem:s5+$0xFFFFFFC0]  }
0x88: {  	v6 =	vld [tilespmem:s12+$0xFFFFFF40];
	v0 =	vsub.f32 v0, v2  }
0x89: {  	v2 =	vld [tilespmem:s5+$0xFFFFFF40]  }
0x8a: {  	v3 =	vsub.f32 v5, v3;
	[tilespmem:s11+$0xC0] =	vst v0  }
0x8b: {  	v0 =	vld [tilespmem:s12+$0xD0]  }
0x8c: {  	v1 =	vsub.f32 v4, v1;
	[tilespmem:s11+$0x30] =	vst v3;
	v3 =	vld [tilespmem:s5+$0xD0]  }
0x8d: {  	v4 =	vld [tilespmem:s12+$0x40]  }
0x8e: {  	v2 =	vsub.f32 v6, v2;
	[tilespmem:s11+$0xFFFFFFC0] =	vst v1;
	v1 =	vld [tilespmem:s5+$0x40]  }
0x8f: {  	v5 =	vld [tilespmem:s12+$0xFFFFFFD0]  }
0x90: {  	[tilespmem:s11+$0xFFFFFF40] =	vst v2;
	v2 =	vld [tilespmem:s5+$0xFFFFFFD0]  }
0x91: {  	v6 =	vld [tilespmem:s12+$0xFFFFFF50];
	v0 =	vsub.f32 v0, v3  }
0x92: {  	v3 =	vld [tilespmem:s5+$0xFFFFFF50]  }
0x93: {  	v1 =	vsub.f32 v4, v1;
	[tilespmem:s11+$0xD0] =	vst v0  }
0x94: {  	v7 =	vld [tilespmem:s12+$0xE0]  }
0x95: {  	v0 =	vsub.f32 v5, v2;
	v5 =	vld [tilespmem:s5+$0xE0];
	[tilespmem:s11+$0x40] =	vst v1  }
0x96: {  	v1 =	vld [tilespmem:s12+$0x50]  }
0x97: {  	v2 =	vsub.f32 v6, v3;
	[tilespmem:s11+$0xFFFFFFD0] =	vst v0;
	v4 =	vld [tilespmem:s5+$0x50]  }
0x98: {  	v0 =	vld [tilespmem:s12+$0xFFFFFFE0]  }
0x99: {  	v3 =	vld [tilespmem:s5+$0xFFFFFFE0];
	[tilespmem:s11+$0xFFFFFF50] =	vst v2  }
0x9a: {  	s28 =	simm.s32 $0x0;
	v2 =	vld [tilespmem:s12+$0xFFFFFF60];
	v6 =	vsub.f32 v7, v5  }
0x9b: {  	s31 =	simm.s32 $0x900;
	s18 =	simm.s32 $0x8700;
	s15 =	simm.s32 $0x10700;
	v5 =	vld [tilespmem:s5+$0xFFFFFF60]  }
.LBB2_3:
0x9c: {  	v7 =	vld [tilespmem:s31+$0x80];
	v1 =	vsub.f32 v1, v4;
	[tilespmem:s11+$0xE0] =	vst v6  }
0x9d: {  	v4 =	vld [tilespmem:s12+$0xF0]  }
0x9e: {  	s18 =	sadd.s32 $0x200, s18;
	v0 =	vsub.f32 v0, v3;
	[tilespmem:s11+$0x50] =	vst v1;
	v1 =	vld [tilespmem:s5+$0xF0]  }
0x9f: {  	v3 =	vld [tilespmem:s18+$0x80]  }
0xa0: {  	v6 =	vld [tilespmem:s18+$0xFFFFFF00];
	v2 =	vsub.f32 v2, v5;
	[tilespmem:s11+$0xFFFFFFE0] =	vst v0  }
0xa1: {  	v0 =	vld [tilespmem:s31+$0xFFFFFF80]  }
0xa2: {  	v5 =	vld [tilespmem:s18+$0xFFFFFF80];
	[tilespmem:s11+$0xFFFFFF60] =	vst v2  }
0xa3: {  	v2 =	vld [tilespmem:s31+$0x0];
	v1 =	vsub.f32 v4, v1  }
0xa4: {  	v4 =	vld [tilespmem:s18+$0x0];
	v3 =	vsub.f32 v7, v3  }
0xa5: {  	s11 =	sadd.s32 $0x200, s11;
	v7 =	vld [tilespmem:s31+$0xFFFFFF00];
	[tilespmem:s15+$0xF0] =	vst v1  }
0xa6: {  	s28 =	sadd.s32 $0x4, s28;
	[tilespmem:s11+$0x80] =	vst v3;
	v1 =	vld [tilespmem:s12+$0x60]  }
0xa7: {  	p3 =	slt.u32 s28, $0x3C;
	v0 =	vsub.f32 v0, v5;
	v3 =	vld [tilespmem:s31+$0x90]  }
0xa8: {  	v5 =	vld [tilespmem:s18+$0x90]  }
0xa9: {  	[tilespmem:s11+$0xFFFFFF80] =	vst v0;
	v0 =	vsub.f32 v2, v4;
	v2 =	vld [tilespmem:s5+$0x60]  }
0xaa: {  	v4 =	vsub.f32 v7, v6;
	v6 =	vld [tilespmem:s31+$0xFFFFFF90]  }
0xab: {  	v7 =	vld [tilespmem:s18+$0xFFFFFF90];
	[tilespmem:s11+$0x0] =	vst v0  }
0xac: {  	[tilespmem:s11+$0xFFFFFF00] =	vst v4;
	v0 =	vld [tilespmem:s31+$0x10]  }
0xad: {  	v4 =	vld [tilespmem:s31+$0xFFFFFF10];
	v3 =	vsub.f32 v3, v5  }
0xae: {  	v5 =	vld [tilespmem:s18+$0xFFFFFF10];
	v1 =	vsub.f32 v1, v2  }
0xaf: {  	v2 =	vld [tilespmem:s18+$0x10];
	[tilespmem:s11+$0x90] =	vst v3  }
0xb0: {  	v3 =	vsub.f32 v6, v7;
	v6 =	vld [tilespmem:s31+$0xA0];
	[tilespmem:s15+$0x60] =	vst v1  }
0xb1: {  	v1 =	vld [tilespmem:s18+$0xA0]  }
0xb2: {  	[tilespmem:s11+$0xFFFFFF90] =	vst v3;
	v3 =	vld [tilespmem:s12+$0xFFFFFF70]  }
0xb3: {  	v4 =	vsub.f32 v4, v5;
	v5 =	vld [tilespmem:s31+$0xFFFFFFA0]  }
0xb4: {  	v7 =	vld [tilespmem:s18+$0xFFFFFFA0];
	v0 =	vsub.f32 v0, v2  }
0xb5: {  	[tilespmem:s11+$0xFFFFFF10] =	vst v4;
	v2 =	vld [tilespmem:s5+$0xFFFFFF70]  }
0xb6: {  	v4 =	vld [tilespmem:s31+$0xFFFFFF20];
	[tilespmem:s11+$0x10] =	vst v0;
	v0 =	vsub.f32 v6, v1  }
0xb7: {  	v1 =	vld [tilespmem:s18+$0xFFFFFF20]  }
0xb8: {  	v6 =	vld [tilespmem:s31+$0x20];
	[tilespmem:s11+$0xA0] =	vst v0  }
0xb9: {  	v0 =	vsub.f32 v5, v7;
	v5 =	vld [tilespmem:s31+$0xB0]  }
0xba: {  	v7 =	vld [tilespmem:s18+$0xB0];
	v2 =	vsub.f32 v3, v2  }
0xbb: {  	[tilespmem:s11+$0xFFFFFFA0] =	vst v0;
	v0 =	vld [tilespmem:s18+$0x20]  }
0xbc: {  	v1 =	vsub.f32 v4, v1;
	v3 =	vld [tilespmem:s31+$0xFFFFFFB0];
	[tilespmem:s15+$0xFFFFFF70] =	vst v2  }
0xbd: {  	v2 =	vld [tilespmem:s18+$0xFFFFFFB0]  }
0xbe: {  	[tilespmem:s11+$0xFFFFFF20] =	vst v1;
	v1 =	vld [tilespmem:s12+$0xFFFFFFF0]  }
0xbf: {  	v4 =	vld [tilespmem:s31+$0xFFFFFF30];
	v5 =	vsub.f32 v5, v7  }
0xc0: {  	v7 =	vld [tilespmem:s18+$0xFFFFFF30];
	v0 =	vsub.f32 v6, v0  }
0xc1: {  	[tilespmem:s11+$0xB0] =	vst v5;
	v5 =	vld [tilespmem:s5+$0xFFFFFFF0]  }
0xc2: {  	v2 =	vsub.f32 v3, v2;
	[tilespmem:s11+$0x20] =	vst v0;
	v0 =	vld [tilespmem:s31+$0xC0]  }
0xc3: {  	v3 =	vld [tilespmem:s18+$0xC0]  }
0xc4: {  	[tilespmem:s11+$0xFFFFFFB0] =	vst v2;
	v2 =	vld [tilespmem:s31+$0x30]  }
0xc5: {  	v4 =	vsub.f32 v4, v7;
	v6 =	vld [tilespmem:s18+$0x30]  }
0xc6: {  	v7 =	vld [tilespmem:s31+$0xFFFFFFC0];
	v1 =	vsub.f32 v1, v5  }
0xc7: {  	[tilespmem:s11+$0xFFFFFF30] =	vst v4;
	v4 =	vld [tilespmem:s18+$0xFFFFFFC0]  }
0xc8: {  	v5 =	vld [tilespmem:s31+$0xFFFFFF40];
	v0 =	vsub.f32 v0, v3;
	[tilespmem:s15+$0xFFFFFFF0] =	vst v1  }
0xc9: {  	v1 =	vld [tilespmem:s18+$0xFFFFFF40]  }
0xca: {  	v2 =	vsub.f32 v2, v6;
	[tilespmem:s11+$0xC0] =	vst v0;
	v3 =	vld [tilespmem:s12+$0x70];
	s12 =	smov.u32 s31  }
0xcb: {  	v0 =	vld [tilespmem:s31+$0xD0]  }
0xcc: {  	v4 =	vsub.f32 v7, v4;
	[tilespmem:s11+$0x30] =	vst v2;
	v2 =	vld [tilespmem:s18+$0xD0]  }
0xcd: {  	v6 =	vld [tilespmem:s31+$0x40]  }
0xce: {  	v1 =	vsub.f32 v5, v1;
	[tilespmem:s11+$0xFFFFFFC0] =	vst v4;
	v4 =	vld [tilespmem:s18+$0x40]  }
0xcf: {  	v5 =	vld [tilespmem:s31+$0xFFFFFFD0]  }
0xd0: {  	[tilespmem:s11+$0xFFFFFF40] =	vst v1;
	v1 =	vld [tilespmem:s18+$0xFFFFFFD0]  }
0xd1: {  	v7 =	vld [tilespmem:s31+$0xFFFFFF50];
	v0 =	vsub.f32 v0, v2  }
0xd2: {  	v2 =	vld [tilespmem:s18+$0xFFFFFF50]  }
0xd3: {  	v4 =	vsub.f32 v6, v4;
	[tilespmem:s11+$0xD0] =	vst v0;
	v6 =	vld [tilespmem:s5+$0x70];
	s5 =	smov.u32 s18  }
0xd4: {  	v8 =	vld [tilespmem:s31+$0xE0]  }
0xd5: {  	v0 =	vsub.f32 v5, v1;
	[tilespmem:s11+$0x40] =	vst v4;
	v5 =	vld [tilespmem:s18+$0xE0]  }
0xd6: {  	v1 =	vld [tilespmem:s31+$0x50]  }
.Ltmp2:
0xd7: {  	v2 =	vsub.f32 v7, v2;
	[tilespmem:s11+$0xFFFFFFD0] =	vst v0;
	v4 =	vld [tilespmem:s18+$0x50];
	(pc) =	sbr.rel @p3 .LBB2_3-.Ltmp2, $4  }
0xd8: {  	v0 =	vld [tilespmem:s31+$0xFFFFFFE0];
	v7 =	vsub.f32 v3, v6  }
0xd9: {  	[tilespmem:s11+$0xFFFFFF50] =	vst v2;
	v3 =	vld [tilespmem:s18+$0xFFFFFFE0]  }
0xda: {  	v2 =	vld [tilespmem:s31+$0xFFFFFF60];
	v6 =	vsub.f32 v8, v5;
	[tilespmem:s15+$0x70] =	vst v7;
	s15 =	smov.u32 s11  }
0xdb: {  	s31 =	sadd.s32 $0x200, s31;
	v5 =	vld [tilespmem:s18+$0xFFFFFF60]  }
0xdc: {  	v1 =	vsub.f32 v1, v4;
	_ =	sdelay $0x1  }
0xdd: {  	[tilespmem:s11+$0x50] =	vst v1  }
0xde: {  	v1 =	vld [tilespmem:s12+$0x60]  }
0xdf: {  	v4 =	vld [tilespmem:s5+$0x60]  }
0xe0: {  	[tilespmem:s11+$0xE0] =	vst v6;
	v2 =	vsub.f32 v2, v5  }
0xe1: {  	v0 =	vsub.f32 v0, v3;
	v3 =	vld [tilespmem:s5+$0xF0]  }
0xe2: {  	v5 =	vld [tilespmem:s12+$0xF0];
	[tilespmem:s11+$0xFFFFFF60] =	vst v2  }
0xe3: {  	v2 =	vld [tilespmem:s12+$0xFFFFFF70]  }
0xe4: {  	[tilespmem:s11+$0xFFFFFFE0] =	vst v0;
	v0 =	vsub.f32 v1, v4;
	v1 =	vld [tilespmem:s5+$0xFFFFFF70]  }
0xe5: {  	v4 =	vld [tilespmem:s12+$0xFFFFFFF0]  }
0xe6: {  	[tilespmem:s15+$0x60] =	vst v0;
	v0 =	vld [tilespmem:s5+$0xFFFFFFF0]  }
0xe7: {  	v6 =	vld [tilespmem:s12+$0x70]  }
0xe8: {  	v7 =	vld [tilespmem:s5+$0x70];
	_ =	sdelay $0x1  }
0xe9: {  	v3 =	vsub.f32 v5, v3  }
0xea: {  	v1 =	vsub.f32 v2, v1  }
0xeb: {  	[tilespmem:s15+$0xF0] =	vst v3;
	v0 =	vsub.f32 v4, v0  }
0xec: {  	[tilespmem:s15+$0xFFFFFF70] =	vst v1;
	v1 =	vsub.f32 v6, v7  }
0xed: {  	s12 =	sshll.u32 s9, $0xC;
	[tilespmem:s15+$0xFFFFFFF0] =	vst v0  }
0xee: {  	s5 =	sadd.s32 s12, s8;
	[tilespmem:s15+$0x70] =	vst v1;
	s15 =	simm.s32 $0x10600  }
0xef: {  	[hbm4b:s5+s4] =	stream.linear.scatter [tilespmem:s15], [sflag:$0xD], $0x2000, $0x38;
	[tilespmem:$0x1A540] =	vst v63  }
0xf0: {  	s11 =	simm.s32 @p1 $0x600;
	s9 =	simm.s32 @p1 $0x100;
	s5 =	simm.s32 @p1 $0x40  }
0xf1: {  	[tilespmem:s11], [sflag:$0x1] =	stream.indirect.gather @p1 [hbm4b:s0+s5], $0x80, s9, s5, $0xb8;
	[tilespmem:$0x1A540] =	vst v63  }
0xf2: {  	s9 =	simm.s32 @p1 $0x500;
	s11 =	simm.s32 @p1 $0x8600  }
0xf3: {  	[tilespmem:s11], [sflag:$0x5] =	stream.indirect.gather @p1 [hbm4b:s0+s5], $0x80, s9, s5, $0xb8;
	[tilespmem:$0x1A540] =	vst v63  }
0xf4: {  	s9 =	sor.u32 $0x2, s6  }
0xf5: {  	_ =	swait.ge [sflag:s2], $0x2000;
	s18 =	sshll.u32 s9, $0x6  }
0xf6: {  	[sflag:s2] =	ssyncset.done $0x0;
	s5 =	sand.u32 $0x3FFFFFC0, s18  }
0xf7: {  	[sflag:s2] =	ssyncadd.s32 $0xFFFFE000;
	s5 =	sadd.s32 $0x200, s5  }
0xf8: {  	[tilespmem:s21], [sflag:$0xB] =	stream.indirect.gather.add.f32 [spmem:s3], $0x80, s5, s14, $0xb8;
	[tilespmem:$0x1A540] =	vst v63  }
0xf9: {  	_ =	swait.ge [sflag:s1], $0x2000  }
0xfa: {  	[sflag:s1] =	ssyncset.done $0x0  }
0xfb: {  	[sflag:s1] =	ssyncadd.s32 $0xFFFFE000  }
0xfc: {  	_ =	swait.ge [sflag:s16], $0x2000  }
0xfd: {  	[sflag:s16] =	ssyncset.done $0x0  }
0xfe: {  	s5 =	simm.s32 @p2 $0xE;
	[sflag:s16] =	ssyncadd.s32 $0xFFFFE000  }
0xff: {  	_ =	swait.ge @p2 [sflag:s5], $0x2000  }
0x100: {  	[sflag:s5] =	ssyncset.done @p2 $0x0  }
0x101: {  	[sflag:s5] =	ssyncadd.s32 @p2 $0xFFFFE000;
	s5 =	simm.s32 $0x2700  }
0x102: {  	s12 =	simm.s32 $0xA700;
	v0 =	vld [tilespmem:s5+$0x80]  }
0x103: {  	v1 =	vld [tilespmem:s12+$0x80];
	_ =	sdelay $0x2  }
0x104: {  	v2 =	vld [tilespmem:s5+$0xFFFFFF80]  }
0x105: {  	v3 =	vld [tilespmem:s12+$0xFFFFFF80]  }
0x106: {  	v4 =	vld [tilespmem:s12+$0xFFFFFF00];
	v0 =	vsub.f32 v0, v1  }
0x107: {  	s11 =	simm.s32 $0x12700;
	v1 =	vld [tilespmem:s5+$0xFFFFFF00]  }
0x108: {  	[tilespmem:s11+$0x80] =	vst v0  }
0x109: {  	v0 =	vld [tilespmem:s5+$0x90]  }
0x10a: {  	v2 =	vsub.f32 v2, v3;
	v3 =	vld [tilespmem:s12+$0x90]  }
0x10b: {  	v5 =	vld [tilespmem:s5+$0x0]  }
0x10c: {  	v6 =	vld [tilespmem:s12+$0x0];
	[tilespmem:s11+$0xFFFFFF80] =	vst v2;
	v1 =	vsub.f32 v1, v4  }
0x10d: {  	v2 =	vld [tilespmem:s5+$0xFFFFFF90]  }
0x10e: {  	v4 =	vld [tilespmem:s12+$0xFFFFFF90];
	[tilespmem:s11+$0xFFFFFF00] =	vst v1  }
0x10f: {  	v1 =	vld [tilespmem:s5+$0xFFFFFF10];
	v0 =	vsub.f32 v0, v3  }
0x110: {  	v3 =	vld [tilespmem:s12+$0xFFFFFF10]  }
0x111: {  	v5 =	vsub.f32 v5, v6;
	[tilespmem:s11+$0x90] =	vst v0  }
0x112: {  	v0 =	vld [tilespmem:s5+$0xA0]  }
0x113: {  	[tilespmem:s11+$0x0] =	vst v5;
	v2 =	vsub.f32 v2, v4;
	v4 =	vld [tilespmem:s12+$0xA0]  }
0x114: {  	v5 =	vld [tilespmem:s5+$0x10]  }
0x115: {  	v6 =	vld [tilespmem:s12+$0x10];
	[tilespmem:s11+$0xFFFFFF90] =	vst v2;
	v1 =	vsub.f32 v1, v3  }
0x116: {  	v2 =	vld [tilespmem:s5+$0xFFFFFFA0]  }
0x117: {  	v3 =	vld [tilespmem:s12+$0xFFFFFFA0];
	[tilespmem:s11+$0xFFFFFF10] =	vst v1  }
0x118: {  	v1 =	vld [tilespmem:s5+$0xFFFFFF20];
	v0 =	vsub.f32 v0, v4  }
0x119: {  	v4 =	vld [tilespmem:s12+$0xFFFFFF20]  }
0x11a: {  	v5 =	vsub.f32 v5, v6;
	[tilespmem:s11+$0xA0] =	vst v0  }
0x11b: {  	v0 =	vld [tilespmem:s5+$0xB0]  }
0x11c: {  	[tilespmem:s11+$0x10] =	vst v5;
	v2 =	vsub.f32 v2, v3;
	v3 =	vld [tilespmem:s12+$0xB0]  }
0x11d: {  	v5 =	vld [tilespmem:s5+$0x20]  }
0x11e: {  	[tilespmem:s11+$0xFFFFFFA0] =	vst v2;
	v2 =	vld [tilespmem:s12+$0x20];
	v1 =	vsub.f32 v1, v4  }
0x11f: {  	v4 =	vld [tilespmem:s5+$0xFFFFFFB0]  }
0x120: {  	v6 =	vld [tilespmem:s12+$0xFFFFFFB0];
	[tilespmem:s11+$0xFFFFFF20] =	vst v1  }
0x121: {  	v1 =	vld [tilespmem:s5+$0xFFFFFF30];
	v0 =	vsub.f32 v0, v3  }
0x122: {  	v3 =	vld [tilespmem:s12+$0xFFFFFF30]  }
0x123: {  	v2 =	vsub.f32 v5, v2;
	[tilespmem:s11+$0xB0] =	vst v0  }
0x124: {  	v0 =	vld [tilespmem:s5+$0xC0]  }
0x125: {  	v4 =	vsub.f32 v4, v6;
	[tilespmem:s11+$0x20] =	vst v2;
	v2 =	vld [tilespmem:s12+$0xC0]  }
0x126: {  	v5 =	vld [tilespmem:s5+$0x30]  }
0x127: {  	[tilespmem:s11+$0xFFFFFFB0] =	vst v4;
	v1 =	vsub.f32 v1, v3;
	v3 =	vld [tilespmem:s12+$0x30]  }
0x128: {  	v4 =	vld [tilespmem:s5+$0xFFFFFFC0]  }
0x129: {  	[tilespmem:s11+$0xFFFFFF30] =	vst v1;
	v1 =	vld [tilespmem:s12+$0xFFFFFFC0]  }
0x12a: {  	v6 =	vld [tilespmem:s5+$0xFFFFFF40];
	v0 =	vsub.f32 v0, v2  }
0x12b: {  	v2 =	vld [tilespmem:s12+$0xFFFFFF40]  }
0x12c: {  	v3 =	vsub.f32 v5, v3;
	[tilespmem:s11+$0xC0] =	vst v0  }
0x12d: {  	v0 =	vld [tilespmem:s5+$0xD0]  }
0x12e: {  	v1 =	vsub.f32 v4, v1;
	[tilespmem:s11+$0x30] =	vst v3;
	v3 =	vld [tilespmem:s12+$0xD0]  }
0x12f: {  	v4 =	vld [tilespmem:s5+$0x40]  }
0x130: {  	v2 =	vsub.f32 v6, v2;
	[tilespmem:s11+$0xFFFFFFC0] =	vst v1;
	v1 =	vld [tilespmem:s12+$0x40]  }
0x131: {  	v5 =	vld [tilespmem:s5+$0xFFFFFFD0]  }
0x132: {  	[tilespmem:s11+$0xFFFFFF40] =	vst v2;
	v2 =	vld [tilespmem:s12+$0xFFFFFFD0]  }
0x133: {  	v6 =	vld [tilespmem:s5+$0xFFFFFF50];
	v0 =	vsub.f32 v0, v3  }
0x134: {  	v3 =	vld [tilespmem:s12+$0xFFFFFF50]  }
0x135: {  	v1 =	vsub.f32 v4, v1;
	[tilespmem:s11+$0xD0] =	vst v0  }
0x136: {  	v7 =	vld [tilespmem:s5+$0xE0]  }
0x137: {  	v0 =	vsub.f32 v5, v2;
	v5 =	vld [tilespmem:s12+$0xE0];
	[tilespmem:s11+$0x40] =	vst v1  }
0x138: {  	v1 =	vld [tilespmem:s5+$0x50]  }
0x139: {  	v2 =	vsub.f32 v6, v3;
	[tilespmem:s11+$0xFFFFFFD0] =	vst v0;
	v4 =	vld [tilespmem:s12+$0x50]  }
0x13a: {  	v0 =	vld [tilespmem:s5+$0xFFFFFFE0]  }
0x13b: {  	v3 =	vld [tilespmem:s12+$0xFFFFFFE0];
	[tilespmem:s11+$0xFFFFFF50] =	vst v2  }
0x13c: {  	s28 =	simm.s32 $0x0;
	v2 =	vld [tilespmem:s5+$0xFFFFFF60];
	v6 =	vsub.f32 v7, v5  }
0x13d: {  	s31 =	simm.s32 $0x2900;
	s15 =	simm.s32 $0x12700;
	s18 =	simm.s32 $0xA700;
	v5 =	vld [tilespmem:s12+$0xFFFFFF60]  }
.LBB2_5:
0x13e: {  	v7 =	vld [tilespmem:s31+$0x80];
	v1 =	vsub.f32 v1, v4;
	[tilespmem:s11+$0xE0] =	vst v6  }
0x13f: {  	v4 =	vld [tilespmem:s5+$0xF0]  }
0x140: {  	s18 =	sadd.s32 $0x200, s18;
	v0 =	vsub.f32 v0, v3;
	[tilespmem:s11+$0x50] =	vst v1;
	v1 =	vld [tilespmem:s12+$0xF0]  }
0x141: {  	v3 =	vld [tilespmem:s18+$0x80]  }
0x142: {  	v6 =	vld [tilespmem:s18+$0xFFFFFF00];
	v2 =	vsub.f32 v2, v5;
	[tilespmem:s11+$0xFFFFFFE0] =	vst v0  }
0x143: {  	v0 =	vld [tilespmem:s31+$0xFFFFFF80]  }
0x144: {  	v5 =	vld [tilespmem:s18+$0xFFFFFF80];
	[tilespmem:s11+$0xFFFFFF60] =	vst v2  }
0x145: {  	v2 =	vld [tilespmem:s31+$0x0];
	v1 =	vsub.f32 v4, v1  }
0x146: {  	v4 =	vld [tilespmem:s18+$0x0];
	v3 =	vsub.f32 v7, v3  }
0x147: {  	s11 =	sadd.s32 $0x200, s11;
	v7 =	vld [tilespmem:s31+$0xFFFFFF00];
	[tilespmem:s15+$0xF0] =	vst v1  }
0x148: {  	s28 =	sadd.s32 $0x4, s28;
	[tilespmem:s11+$0x80] =	vst v3;
	v1 =	vld [tilespmem:s5+$0x60]  }
0x149: {  	p3 =	slt.u32 s28, $0x3C;
	v0 =	vsub.f32 v0, v5;
	v3 =	vld [tilespmem:s31+$0x90]  }
0x14a: {  	v5 =	vld [tilespmem:s18+$0x90]  }
0x14b: {  	[tilespmem:s11+$0xFFFFFF80] =	vst v0;
	v0 =	vsub.f32 v2, v4;
	v2 =	vld [tilespmem:s12+$0x60]  }
0x14c: {  	v4 =	vsub.f32 v7, v6;
	v6 =	vld [tilespmem:s31+$0xFFFFFF90]  }
0x14d: {  	v7 =	vld [tilespmem:s18+$0xFFFFFF90];
	[tilespmem:s11+$0x0] =	vst v0  }
0x14e: {  	[tilespmem:s11+$0xFFFFFF00] =	vst v4;
	v0 =	vld [tilespmem:s31+$0x10]  }
0x14f: {  	v4 =	vld [tilespmem:s31+$0xFFFFFF10];
	v3 =	vsub.f32 v3, v5  }
0x150: {  	v5 =	vld [tilespmem:s18+$0xFFFFFF10];
	v1 =	vsub.f32 v1, v2  }
0x151: {  	v2 =	vld [tilespmem:s18+$0x10];
	[tilespmem:s11+$0x90] =	vst v3  }
0x152: {  	v3 =	vsub.f32 v6, v7;
	v6 =	vld [tilespmem:s31+$0xA0];
	[tilespmem:s15+$0x60] =	vst v1  }
0x153: {  	v1 =	vld [tilespmem:s18+$0xA0]  }
0x154: {  	[tilespmem:s11+$0xFFFFFF90] =	vst v3;
	v3 =	vld [tilespmem:s5+$0xFFFFFF70]  }
0x155: {  	v4 =	vsub.f32 v4, v5;
	v5 =	vld [tilespmem:s31+$0xFFFFFFA0]  }
0x156: {  	v7 =	vld [tilespmem:s18+$0xFFFFFFA0];
	v0 =	vsub.f32 v0, v2  }
0x157: {  	[tilespmem:s11+$0xFFFFFF10] =	vst v4;
	v2 =	vld [tilespmem:s12+$0xFFFFFF70]  }
0x158: {  	v4 =	vld [tilespmem:s31+$0xFFFFFF20];
	[tilespmem:s11+$0x10] =	vst v0;
	v0 =	vsub.f32 v6, v1  }
0x159: {  	v1 =	vld [tilespmem:s18+$0xFFFFFF20]  }
0x15a: {  	v6 =	vld [tilespmem:s31+$0x20];
	[tilespmem:s11+$0xA0] =	vst v0  }
0x15b: {  	v0 =	vsub.f32 v5, v7;
	v5 =	vld [tilespmem:s31+$0xB0]  }
0x15c: {  	v7 =	vld [tilespmem:s18+$0xB0];
	v2 =	vsub.f32 v3, v2  }
0x15d: {  	[tilespmem:s11+$0xFFFFFFA0] =	vst v0;
	v0 =	vld [tilespmem:s18+$0x20]  }
0x15e: {  	v1 =	vsub.f32 v4, v1;
	v3 =	vld [tilespmem:s31+$0xFFFFFFB0];
	[tilespmem:s15+$0xFFFFFF70] =	vst v2  }
0x15f: {  	v2 =	vld [tilespmem:s18+$0xFFFFFFB0]  }
0x160: {  	[tilespmem:s11+$0xFFFFFF20] =	vst v1;
	v1 =	vld [tilespmem:s5+$0xFFFFFFF0]  }
0x161: {  	v4 =	vld [tilespmem:s31+$0xFFFFFF30];
	v5 =	vsub.f32 v5, v7  }
0x162: {  	v7 =	vld [tilespmem:s18+$0xFFFFFF30];
	v0 =	vsub.f32 v6, v0  }
0x163: {  	[tilespmem:s11+$0xB0] =	vst v5;
	v5 =	vld [tilespmem:s12+$0xFFFFFFF0]  }
0x164: {  	v2 =	vsub.f32 v3, v2;
	[tilespmem:s11+$0x20] =	vst v0;
	v0 =	vld [tilespmem:s31+$0xC0]  }
0x165: {  	v3 =	vld [tilespmem:s18+$0xC0]  }
0x166: {  	[tilespmem:s11+$0xFFFFFFB0] =	vst v2;
	v2 =	vld [tilespmem:s31+$0x30]  }
0x167: {  	v4 =	vsub.f32 v4, v7;
	v6 =	vld [tilespmem:s18+$0x30]  }
0x168: {  	v7 =	vld [tilespmem:s31+$0xFFFFFFC0];
	v1 =	vsub.f32 v1, v5  }
0x169: {  	[tilespmem:s11+$0xFFFFFF30] =	vst v4;
	v4 =	vld [tilespmem:s18+$0xFFFFFFC0]  }
0x16a: {  	v5 =	vld [tilespmem:s31+$0xFFFFFF40];
	v0 =	vsub.f32 v0, v3;
	[tilespmem:s15+$0xFFFFFFF0] =	vst v1  }
0x16b: {  	v1 =	vld [tilespmem:s18+$0xFFFFFF40]  }
0x16c: {  	v2 =	vsub.f32 v2, v6;
	[tilespmem:s11+$0xC0] =	vst v0;
	v3 =	vld [tilespmem:s5+$0x70];
	s5 =	smov.u32 s31  }
0x16d: {  	v0 =	vld [tilespmem:s31+$0xD0]  }
0x16e: {  	v4 =	vsub.f32 v7, v4;
	[tilespmem:s11+$0x30] =	vst v2;
	v2 =	vld [tilespmem:s18+$0xD0]  }
0x16f: {  	v6 =	vld [tilespmem:s31+$0x40]  }
0x170: {  	v1 =	vsub.f32 v5, v1;
	[tilespmem:s11+$0xFFFFFFC0] =	vst v4;
	v4 =	vld [tilespmem:s18+$0x40]  }
0x171: {  	v5 =	vld [tilespmem:s31+$0xFFFFFFD0]  }
0x172: {  	[tilespmem:s11+$0xFFFFFF40] =	vst v1;
	v1 =	vld [tilespmem:s18+$0xFFFFFFD0]  }
0x173: {  	v7 =	vld [tilespmem:s31+$0xFFFFFF50];
	v0 =	vsub.f32 v0, v2  }
0x174: {  	v2 =	vld [tilespmem:s18+$0xFFFFFF50]  }
0x175: {  	v4 =	vsub.f32 v6, v4;
	[tilespmem:s11+$0xD0] =	vst v0;
	v6 =	vld [tilespmem:s12+$0x70];
	s12 =	smov.u32 s18  }
0x176: {  	v8 =	vld [tilespmem:s31+$0xE0]  }
0x177: {  	v0 =	vsub.f32 v5, v1;
	[tilespmem:s11+$0x40] =	vst v4;
	v5 =	vld [tilespmem:s18+$0xE0]  }
0x178: {  	v1 =	vld [tilespmem:s31+$0x50]  }
.Ltmp3:
0x179: {  	v2 =	vsub.f32 v7, v2;
	[tilespmem:s11+$0xFFFFFFD0] =	vst v0;
	v4 =	vld [tilespmem:s18+$0x50];
	(pc) =	sbr.rel @p3 .LBB2_5-.Ltmp3, $4  }
0x17a: {  	v0 =	vld [tilespmem:s31+$0xFFFFFFE0];
	v7 =	vsub.f32 v3, v6  }
0x17b: {  	[tilespmem:s11+$0xFFFFFF50] =	vst v2;
	v3 =	vld [tilespmem:s18+$0xFFFFFFE0]  }
0x17c: {  	v2 =	vld [tilespmem:s31+$0xFFFFFF60];
	v6 =	vsub.f32 v8, v5;
	[tilespmem:s15+$0x70] =	vst v7;
	s15 =	smov.u32 s11  }
0x17d: {  	s31 =	sadd.s32 $0x200, s31;
	v5 =	vld [tilespmem:s18+$0xFFFFFF60]  }
0x17e: {  	v1 =	vsub.f32 v1, v4;
	_ =	sdelay $0x1  }
0x17f: {  	[tilespmem:s11+$0x50] =	vst v1  }
0x180: {  	v1 =	vld [tilespmem:s5+$0x60]  }
0x181: {  	v4 =	vld [tilespmem:s12+$0x60]  }
0x182: {  	[tilespmem:s11+$0xE0] =	vst v6;
	v2 =	vsub.f32 v2, v5  }
0x183: {  	v0 =	vsub.f32 v0, v3;
	v3 =	vld [tilespmem:s12+$0xF0]  }
0x184: {  	v5 =	vld [tilespmem:s5+$0xF0];
	[tilespmem:s11+$0xFFFFFF60] =	vst v2  }
0x185: {  	v2 =	vld [tilespmem:s5+$0xFFFFFF70]  }
0x186: {  	[tilespmem:s11+$0xFFFFFFE0] =	vst v0;
	v0 =	vsub.f32 v1, v4;
	v1 =	vld [tilespmem:s12+$0xFFFFFF70]  }
0x187: {  	v4 =	vld [tilespmem:s5+$0xFFFFFFF0]  }
0x188: {  	[tilespmem:s15+$0x60] =	vst v0;
	v0 =	vld [tilespmem:s12+$0xFFFFFFF0]  }
0x189: {  	v6 =	vld [tilespmem:s5+$0x70]  }
0x18a: {  	v7 =	vld [tilespmem:s12+$0x70];
	_ =	sdelay $0x1  }
0x18b: {  	v3 =	vsub.f32 v5, v3  }
0x18c: {  	v1 =	vsub.f32 v2, v1  }
0x18d: {  	[tilespmem:s15+$0xF0] =	vst v3;
	v0 =	vsub.f32 v4, v0  }
0x18e: {  	[tilespmem:s15+$0xFFFFFF70] =	vst v1;
	v1 =	vsub.f32 v6, v7  }
0x18f: {  	s12 =	sshll.u32 s7, $0xA;
	[tilespmem:s15+$0xFFFFFFF0] =	vst v0  }
0x190: {  	s18 =	simm.s32 $0x12600;
	s5 =	sadd.s32 s12, s8;
	[tilespmem:s15+$0x70] =	vst v1  }
0x191: {  	[hbm4b:s5+s4] =	stream.linear.scatter [tilespmem:s18], [sflag:$0xE], $0x2000, $0x38;
	[tilespmem:$0x1A540] =	vst v63  }
0x192: {  	s11 =	simm.s32 @p1 $0x2600;
	s7 =	simm.s32 @p1 $0x140;
	s5 =	simm.s32 @p1 $0x40  }
0x193: {  	[tilespmem:s11], [sflag:$0x2] =	stream.indirect.gather @p1 [hbm4b:s0+s5], $0x80, s7, s5, $0xb8;
	[tilespmem:$0x1A540] =	vst v63  }
0x194: {  	s6 =	sor.u32 $0x3, s6;
	s7 =	simm.s32 @p1 $0x540;
	s11 =	simm.s32 @p1 $0xA600  }
0x195: {  	[tilespmem:s11], [sflag:$0x6] =	stream.indirect.gather @p1 [hbm4b:s0+s5], $0x80, s7, s5, $0xb8;
	[tilespmem:$0x1A540] =	vst v63  }
0x196: {  	s31 =	sshll.u32 s6, $0x6;
	_ =	swait.ge [sflag:s19], $0x2000  }
0x197: {  	s5 =	sand.u32 $0x3FFFFFC0, s31;
	[sflag:s19] =	ssyncset.done $0x0  }
0x198: {  	s5 =	sadd.s32 $0x200, s5;
	[sflag:s19] =	ssyncadd.s32 $0xFFFFE000  }
0x199: {  	[tilespmem:s25], [sflag:$0xC] =	stream.indirect.gather.add.f32 [spmem:s3], $0x80, s5, s14, $0xb8;
	[tilespmem:$0x1A540] =	vst v63  }
0x19a: {  	_ =	swait.ge [sflag:s20], $0x2000  }
0x19b: {  	[sflag:s20] =	ssyncset.done $0x0  }
0x19c: {  	[sflag:s20] =	ssyncadd.s32 $0xFFFFE000  }
0x19d: {  	_ =	swait.ge [sflag:s22], $0x2000  }
0x19e: {  	[sflag:s22] =	ssyncset.done $0x0  }
0x19f: {  	s5 =	simm.s32 @p2 $0xF;
	[sflag:s22] =	ssyncadd.s32 $0xFFFFE000  }
0x1a0: {  	_ =	swait.ge @p2 [sflag:s5], $0x2000  }
0x1a1: {  	[sflag:s5] =	ssyncset.done @p2 $0x0  }
0x1a2: {  	[sflag:s5] =	ssyncadd.s32 @p2 $0xFFFFE000;
	s5 =	simm.s32 $0x4700  }
0x1a3: {  	s7 =	simm.s32 $0xC700;
	v0 =	vld [tilespmem:s5+$0x80]  }
0x1a4: {  	v1 =	vld [tilespmem:s7+$0x80];
	_ =	sdelay $0x2  }
0x1a5: {  	v2 =	vld [tilespmem:s5+$0xFFFFFF80]  }
0x1a6: {  	v3 =	vld [tilespmem:s7+$0xFFFFFF80]  }
0x1a7: {  	v4 =	vld [tilespmem:s7+$0xFFFFFF00];
	v0 =	vsub.f32 v0, v1  }
0x1a8: {  	s11 =	simm.s32 $0x14700;
	v1 =	vld [tilespmem:s5+$0xFFFFFF00]  }
0x1a9: {  	[tilespmem:s11+$0x80] =	vst v0  }
0x1aa: {  	v0 =	vld [tilespmem:s5+$0x90]  }
0x1ab: {  	v2 =	vsub.f32 v2, v3;
	v3 =	vld [tilespmem:s7+$0x90]  }
0x1ac: {  	v5 =	vld [tilespmem:s5+$0x0]  }
0x1ad: {  	v6 =	vld [tilespmem:s7+$0x0];
	[tilespmem:s11+$0xFFFFFF80] =	vst v2;
	v1 =	vsub.f32 v1, v4  }
0x1ae: {  	v2 =	vld [tilespmem:s5+$0xFFFFFF90]  }
0x1af: {  	v4 =	vld [tilespmem:s7+$0xFFFFFF90];
	[tilespmem:s11+$0xFFFFFF00] =	vst v1  }
0x1b0: {  	v1 =	vld [tilespmem:s5+$0xFFFFFF10];
	v0 =	vsub.f32 v0, v3  }
0x1b1: {  	v3 =	vld [tilespmem:s7+$0xFFFFFF10]  }
0x1b2: {  	v5 =	vsub.f32 v5, v6;
	[tilespmem:s11+$0x90] =	vst v0  }
0x1b3: {  	v0 =	vld [tilespmem:s5+$0xA0]  }
0x1b4: {  	[tilespmem:s11+$0x0] =	vst v5;
	v2 =	vsub.f32 v2, v4;
	v4 =	vld [tilespmem:s7+$0xA0]  }
0x1b5: {  	v5 =	vld [tilespmem:s5+$0x10]  }
0x1b6: {  	v6 =	vld [tilespmem:s7+$0x10];
	[tilespmem:s11+$0xFFFFFF90] =	vst v2;
	v1 =	vsub.f32 v1, v3  }
0x1b7: {  	v2 =	vld [tilespmem:s5+$0xFFFFFFA0]  }
0x1b8: {  	v3 =	vld [tilespmem:s7+$0xFFFFFFA0];
	[tilespmem:s11+$0xFFFFFF10] =	vst v1  }
0x1b9: {  	v1 =	vld [tilespmem:s5+$0xFFFFFF20];
	v0 =	vsub.f32 v0, v4  }
0x1ba: {  	v4 =	vld [tilespmem:s7+$0xFFFFFF20]  }
0x1bb: {  	v5 =	vsub.f32 v5, v6;
	[tilespmem:s11+$0xA0] =	vst v0  }
0x1bc: {  	v0 =	vld [tilespmem:s5+$0xB0]  }
0x1bd: {  	[tilespmem:s11+$0x10] =	vst v5;
	v2 =	vsub.f32 v2, v3;
	v3 =	vld [tilespmem:s7+$0xB0]  }
0x1be: {  	v5 =	vld [tilespmem:s5+$0x20]  }
0x1bf: {  	[tilespmem:s11+$0xFFFFFFA0] =	vst v2;
	v2 =	vld [tilespmem:s7+$0x20];
	v1 =	vsub.f32 v1, v4  }
0x1c0: {  	v4 =	vld [tilespmem:s5+$0xFFFFFFB0]  }
0x1c1: {  	v6 =	vld [tilespmem:s7+$0xFFFFFFB0];
	[tilespmem:s11+$0xFFFFFF20] =	vst v1  }
0x1c2: {  	v1 =	vld [tilespmem:s5+$0xFFFFFF30];
	v0 =	vsub.f32 v0, v3  }
0x1c3: {  	v3 =	vld [tilespmem:s7+$0xFFFFFF30]  }
0x1c4: {  	v2 =	vsub.f32 v5, v2;
	[tilespmem:s11+$0xB0] =	vst v0  }
0x1c5: {  	v0 =	vld [tilespmem:s5+$0xC0]  }
0x1c6: {  	v4 =	vsub.f32 v4, v6;
	[tilespmem:s11+$0x20] =	vst v2;
	v2 =	vld [tilespmem:s7+$0xC0]  }
0x1c7: {  	v5 =	vld [tilespmem:s5+$0x30]  }
0x1c8: {  	[tilespmem:s11+$0xFFFFFFB0] =	vst v4;
	v1 =	vsub.f32 v1, v3;
	v3 =	vld [tilespmem:s7+$0x30]  }
0x1c9: {  	v4 =	vld [tilespmem:s5+$0xFFFFFFC0]  }
0x1ca: {  	[tilespmem:s11+$0xFFFFFF30] =	vst v1;
	v1 =	vld [tilespmem:s7+$0xFFFFFFC0]  }
0x1cb: {  	v6 =	vld [tilespmem:s5+$0xFFFFFF40];
	v0 =	vsub.f32 v0, v2  }
0x1cc: {  	v2 =	vld [tilespmem:s7+$0xFFFFFF40]  }
0x1cd: {  	v3 =	vsub.f32 v5, v3;
	[tilespmem:s11+$0xC0] =	vst v0  }
0x1ce: {  	v0 =	vld [tilespmem:s5+$0xD0]  }
0x1cf: {  	v1 =	vsub.f32 v4, v1;
	[tilespmem:s11+$0x30] =	vst v3;
	v3 =	vld [tilespmem:s7+$0xD0]  }
0x1d0: {  	v4 =	vld [tilespmem:s5+$0x40]  }
0x1d1: {  	v2 =	vsub.f32 v6, v2;
	[tilespmem:s11+$0xFFFFFFC0] =	vst v1;
	v1 =	vld [tilespmem:s7+$0x40]  }
0x1d2: {  	v5 =	vld [tilespmem:s5+$0xFFFFFFD0]  }
0x1d3: {  	[tilespmem:s11+$0xFFFFFF40] =	vst v2;
	v2 =	vld [tilespmem:s7+$0xFFFFFFD0]  }
0x1d4: {  	v6 =	vld [tilespmem:s5+$0xFFFFFF50];
	v0 =	vsub.f32 v0, v3  }
0x1d5: {  	v3 =	vld [tilespmem:s7+$0xFFFFFF50]  }
0x1d6: {  	v1 =	vsub.f32 v4, v1;
	[tilespmem:s11+$0xD0] =	vst v0  }
0x1d7: {  	v7 =	vld [tilespmem:s5+$0xE0]  }
0x1d8: {  	v0 =	vsub.f32 v5, v2;
	v5 =	vld [tilespmem:s7+$0xE0];
	[tilespmem:s11+$0x40] =	vst v1  }
0x1d9: {  	v1 =	vld [tilespmem:s5+$0x50]  }
0x1da: {  	v2 =	vsub.f32 v6, v3;
	[tilespmem:s11+$0xFFFFFFD0] =	vst v0;
	v4 =	vld [tilespmem:s7+$0x50]  }
0x1db: {  	v0 =	vld [tilespmem:s5+$0xFFFFFFE0]  }
0x1dc: {  	v3 =	vld [tilespmem:s7+$0xFFFFFFE0];
	[tilespmem:s11+$0xFFFFFF50] =	vst v2  }
0x1dd: {  	s28 =	simm.s32 $0x4900;
	v2 =	vld [tilespmem:s5+$0xFFFFFF60];
	v6 =	vsub.f32 v7, v5  }
0x1de: {  	s12 =	simm.s32 $0x14700;
	s15 =	simm.s32 $0x0;
	s18 =	simm.s32 $0xC700;
	v5 =	vld [tilespmem:s7+$0xFFFFFF60]  }
.LBB2_7:
0x1df: {  	v7 =	vld [tilespmem:s28+$0x80];
	v1 =	vsub.f32 v1, v4;
	[tilespmem:s11+$0xE0] =	vst v6  }
0x1e0: {  	v4 =	vld [tilespmem:s5+$0xF0]  }
0x1e1: {  	s18 =	sadd.s32 $0x200, s18;
	v0 =	vsub.f32 v0, v3;
	[tilespmem:s11+$0x50] =	vst v1;
	v1 =	vld [tilespmem:s7+$0xF0]  }
0x1e2: {  	v3 =	vld [tilespmem:s18+$0x80]  }
0x1e3: {  	v6 =	vld [tilespmem:s18+$0xFFFFFF00];
	v2 =	vsub.f32 v2, v5;
	[tilespmem:s11+$0xFFFFFFE0] =	vst v0  }
0x1e4: {  	v0 =	vld [tilespmem:s28+$0xFFFFFF80]  }
0x1e5: {  	v5 =	vld [tilespmem:s18+$0xFFFFFF80];
	[tilespmem:s11+$0xFFFFFF60] =	vst v2  }
0x1e6: {  	v2 =	vld [tilespmem:s28+$0x0];
	v1 =	vsub.f32 v4, v1  }
0x1e7: {  	v4 =	vld [tilespmem:s18+$0x0];
	v3 =	vsub.f32 v7, v3  }
0x1e8: {  	s11 =	sadd.s32 $0x200, s11;
	v7 =	vld [tilespmem:s28+$0xFFFFFF00];
	[tilespmem:s12+$0xF0] =	vst v1  }
0x1e9: {  	s15 =	sadd.s32 $0x4, s15;
	[tilespmem:s11+$0x80] =	vst v3;
	v1 =	vld [tilespmem:s5+$0x60]  }
0x1ea: {  	p3 =	slt.u32 s15, $0x3C;
	v0 =	vsub.f32 v0, v5;
	v3 =	vld [tilespmem:s28+$0x90]  }
0x1eb: {  	v5 =	vld [tilespmem:s18+$0x90]  }
0x1ec: {  	[tilespmem:s11+$0xFFFFFF80] =	vst v0;
	v0 =	vsub.f32 v2, v4;
	v2 =	vld [tilespmem:s7+$0x60]  }
0x1ed: {  	v4 =	vsub.f32 v7, v6;
	v6 =	vld [tilespmem:s28+$0xFFFFFF90]  }
0x1ee: {  	v7 =	vld [tilespmem:s18+$0xFFFFFF90];
	[tilespmem:s11+$0x0] =	vst v0  }
0x1ef: {  	[tilespmem:s11+$0xFFFFFF00] =	vst v4;
	v0 =	vld [tilespmem:s28+$0x10]  }
0x1f0: {  	v4 =	vld [tilespmem:s28+$0xFFFFFF10];
	v3 =	vsub.f32 v3, v5  }
0x1f1: {  	v5 =	vld [tilespmem:s18+$0xFFFFFF10];
	v1 =	vsub.f32 v1, v2  }
0x1f2: {  	v2 =	vld [tilespmem:s18+$0x10];
	[tilespmem:s11+$0x90] =	vst v3  }
0x1f3: {  	v3 =	vsub.f32 v6, v7;
	v6 =	vld [tilespmem:s28+$0xA0];
	[tilespmem:s12+$0x60] =	vst v1  }
0x1f4: {  	v1 =	vld [tilespmem:s18+$0xA0]  }
0x1f5: {  	[tilespmem:s11+$0xFFFFFF90] =	vst v3;
	v3 =	vld [tilespmem:s5+$0xFFFFFF70]  }
0x1f6: {  	v4 =	vsub.f32 v4, v5;
	v5 =	vld [tilespmem:s28+$0xFFFFFFA0]  }
0x1f7: {  	v7 =	vld [tilespmem:s18+$0xFFFFFFA0];
	v0 =	vsub.f32 v0, v2  }
0x1f8: {  	[tilespmem:s11+$0xFFFFFF10] =	vst v4;
	v2 =	vld [tilespmem:s7+$0xFFFFFF70]  }
0x1f9: {  	v4 =	vld [tilespmem:s28+$0xFFFFFF20];
	[tilespmem:s11+$0x10] =	vst v0;
	v0 =	vsub.f32 v6, v1  }
0x1fa: {  	v1 =	vld [tilespmem:s18+$0xFFFFFF20]  }
0x1fb: {  	v6 =	vld [tilespmem:s28+$0x20];
	[tilespmem:s11+$0xA0] =	vst v0  }
0x1fc: {  	v0 =	vsub.f32 v5, v7;
	v5 =	vld [tilespmem:s28+$0xB0]  }
0x1fd: {  	v7 =	vld [tilespmem:s18+$0xB0];
	v2 =	vsub.f32 v3, v2  }
0x1fe: {  	[tilespmem:s11+$0xFFFFFFA0] =	vst v0;
	v0 =	vld [tilespmem:s18+$0x20]  }
0x1ff: {  	v1 =	vsub.f32 v4, v1;
	v3 =	vld [tilespmem:s28+$0xFFFFFFB0];
	[tilespmem:s12+$0xFFFFFF70] =	vst v2  }
0x200: {  	v2 =	vld [tilespmem:s18+$0xFFFFFFB0]  }
0x201: {  	[tilespmem:s11+$0xFFFFFF20] =	vst v1;
	v1 =	vld [tilespmem:s5+$0xFFFFFFF0]  }
0x202: {  	v4 =	vld [tilespmem:s28+$0xFFFFFF30];
	v5 =	vsub.f32 v5, v7  }
0x203: {  	v7 =	vld [tilespmem:s18+$0xFFFFFF30];
	v0 =	vsub.f32 v6, v0  }
0x204: {  	[tilespmem:s11+$0xB0] =	vst v5;
	v5 =	vld [tilespmem:s7+$0xFFFFFFF0]  }
0x205: {  	v2 =	vsub.f32 v3, v2;
	[tilespmem:s11+$0x20] =	vst v0;
	v0 =	vld [tilespmem:s28+$0xC0]  }
0x206: {  	v3 =	vld [tilespmem:s18+$0xC0]  }
0x207: {  	[tilespmem:s11+$0xFFFFFFB0] =	vst v2;
	v2 =	vld [tilespmem:s28+$0x30]  }
0x208: {  	v4 =	vsub.f32 v4, v7;
	v6 =	vld [tilespmem:s18+$0x30]  }
0x209: {  	v7 =	vld [tilespmem:s28+$0xFFFFFFC0];
	v1 =	vsub.f32 v1, v5  }
0x20a: {  	[tilespmem:s11+$0xFFFFFF30] =	vst v4;
	v4 =	vld [tilespmem:s18+$0xFFFFFFC0]  }
0x20b: {  	v5 =	vld [tilespmem:s28+$0xFFFFFF40];
	v0 =	vsub.f32 v0, v3;
	[tilespmem:s12+$0xFFFFFFF0] =	vst v1  }
0x20c: {  	v1 =	vld [tilespmem:s18+$0xFFFFFF40]  }
0x20d: {  	v2 =	vsub.f32 v2, v6;
	[tilespmem:s11+$0xC0] =	vst v0;
	v3 =	vld [tilespmem:s5+$0x70];
	s5 =	smov.u32 s28  }
0x20e: {  	v0 =	vld [tilespmem:s28+$0xD0]  }
0x20f: {  	v4 =	vsub.f32 v7, v4;
	[tilespmem:s11+$0x30] =	vst v2;
	v2 =	vld [tilespmem:s18+$0xD0]  }
0x210: {  	v6 =	vld [tilespmem:s28+$0x40]  }
0x211: {  	v1 =	vsub.f32 v5, v1;
	[tilespmem:s11+$0xFFFFFFC0] =	vst v4;
	v4 =	vld [tilespmem:s18+$0x40]  }
0x212: {  	v5 =	vld [tilespmem:s28+$0xFFFFFFD0]  }
0x213: {  	[tilespmem:s11+$0xFFFFFF40] =	vst v1;
	v1 =	vld [tilespmem:s18+$0xFFFFFFD0]  }
0x214: {  	v7 =	vld [tilespmem:s28+$0xFFFFFF50];
	v0 =	vsub.f32 v0, v2  }
0x215: {  	v2 =	vld [tilespmem:s18+$0xFFFFFF50]  }
0x216: {  	v4 =	vsub.f32 v6, v4;
	[tilespmem:s11+$0xD0] =	vst v0;
	v6 =	vld [tilespmem:s7+$0x70];
	s7 =	smov.u32 s18  }
0x217: {  	v8 =	vld [tilespmem:s28+$0xE0]  }
0x218: {  	v0 =	vsub.f32 v5, v1;
	[tilespmem:s11+$0x40] =	vst v4;
	v5 =	vld [tilespmem:s18+$0xE0]  }
0x219: {  	v1 =	vld [tilespmem:s28+$0x50]  }
.Ltmp4:
0x21a: {  	v2 =	vsub.f32 v7, v2;
	[tilespmem:s11+$0xFFFFFFD0] =	vst v0;
	v4 =	vld [tilespmem:s18+$0x50];
	(pc) =	sbr.rel @p3 .LBB2_7-.Ltmp4, $4  }
0x21b: {  	v0 =	vld [tilespmem:s28+$0xFFFFFFE0];
	v7 =	vsub.f32 v3, v6  }
0x21c: {  	[tilespmem:s11+$0xFFFFFF50] =	vst v2;
	v3 =	vld [tilespmem:s18+$0xFFFFFFE0]  }
0x21d: {  	v2 =	vld [tilespmem:s28+$0xFFFFFF60];
	v6 =	vsub.f32 v8, v5;
	[tilespmem:s12+$0x70] =	vst v7;
	s12 =	smov.u32 s11  }
0x21e: {  	s28 =	sadd.s32 $0x200, s28;
	v5 =	vld [tilespmem:s18+$0xFFFFFF60]  }
0x21f: {  	v1 =	vsub.f32 v1, v4;
	_ =	sdelay $0x1  }
0x220: {  	[tilespmem:s11+$0x50] =	vst v1  }
0x221: {  	v1 =	vld [tilespmem:s5+$0x60]  }
0x222: {  	v4 =	vld [tilespmem:s7+$0x60]  }
0x223: {  	[tilespmem:s11+$0xE0] =	vst v6;
	v2 =	vsub.f32 v2, v5  }
0x224: {  	v0 =	vsub.f32 v0, v3;
	v3 =	vld [tilespmem:s7+$0xF0]  }
0x225: {  	v5 =	vld [tilespmem:s5+$0xF0];
	[tilespmem:s11+$0xFFFFFF60] =	vst v2  }
0x226: {  	v2 =	vld [tilespmem:s5+$0xFFFFFF70]  }
0x227: {  	[tilespmem:s11+$0xFFFFFFE0] =	vst v0;
	v0 =	vsub.f32 v1, v4;
	v1 =	vld [tilespmem:s7+$0xFFFFFF70]  }
0x228: {  	v4 =	vld [tilespmem:s5+$0xFFFFFFF0]  }
0x229: {  	[tilespmem:s12+$0x60] =	vst v0;
	v0 =	vld [tilespmem:s7+$0xFFFFFFF0]  }
0x22a: {  	v6 =	vld [tilespmem:s5+$0x70]  }
0x22b: {  	v7 =	vld [tilespmem:s7+$0x70];
	_ =	sdelay $0x1  }
0x22c: {  	v3 =	vsub.f32 v5, v3  }
0x22d: {  	v1 =	vsub.f32 v2, v1  }
0x22e: {  	[tilespmem:s12+$0xF0] =	vst v3;
	v0 =	vsub.f32 v4, v0  }
0x22f: {  	[tilespmem:s12+$0xFFFFFF70] =	vst v1;
	v1 =	vsub.f32 v6, v7  }
0x230: {  	s31 =	sshll.u32 s9, $0xA;
	[tilespmem:s12+$0xFFFFFFF0] =	vst v0  }
0x231: {  	s5 =	sadd.s32 s31, s8;
	[tilespmem:s12+$0x70] =	vst v1  }
0x232: {  	[hbm4b:s5+s4] =	stream.linear.scatter [tilespmem:s23], [sflag:$0xF], $0x2000, $0x38;
	[tilespmem:$0x1A540] =	vst v63  }
0x233: {  	s9 =	simm.s32 @p1 $0x4600;
	s7 =	simm.s32 @p1 $0x180;
	s5 =	simm.s32 @p1 $0x40  }
0x234: {  	[tilespmem:s9], [sflag:$0x3] =	stream.indirect.gather @p1 [hbm4b:s0+s5], $0x80, s7, s5, $0xb8;
	[tilespmem:$0x1A540] =	vst v63  }
0x235: {  	s7 =	simm.s32 @p1 $0x580;
	s9 =	simm.s32 @p1 $0xC600  }
0x236: {  	[tilespmem:s9], [sflag:$0x7] =	stream.indirect.gather @p1 [hbm4b:s0+s5], $0x80, s7, s5, $0xb8;
	[tilespmem:$0x1A540] =	vst v63  }
0x237: {  	s7 =	simm.s32 @p1 $0x1  }
0x238: {  	_ =	swait.ge @p1 [sflag:s7], $0x2000  }
0x239: {  	[sflag:s7] =	ssyncset.done @p1 $0x0  }
0x23a: {  	s9 =	simm.s32 @p1 $0x600;
	[sflag:s7] =	ssyncadd.s32 @p1 $0xFFFFE000;
	s7 =	simm.s32 @p1 $0x300  }
0x23b: {  	[tilespmem:s9], [sflag:$0x9] =	stream.indirect.gather.add.f32 @p1 [spmem:s3], $0x80, s7, s5, $0xb8;
	[tilespmem:$0x1A540] =	vst v63  }
0x23c: {  	_ =	swait.ge [sflag:s24], $0x2000  }
0x23d: {  	[sflag:s24] =	ssyncset.done $0x0  }
0x23e: {  	[sflag:s24] =	ssyncadd.s32 $0xFFFFE000  }
0x23f: {  	_ =	swait.ge [sflag:s26], $0x2000  }
0x240: {  	[sflag:s26] =	ssyncset.done $0x0  }
0x241: {  	s5 =	simm.s32 @p2 $0x10;
	[sflag:s26] =	ssyncadd.s32 $0xFFFFE000  }
0x242: {  	_ =	swait.ge @p2 [sflag:s5], $0x2000  }
0x243: {  	[sflag:s5] =	ssyncset.done @p2 $0x0  }
0x244: {  	[sflag:s5] =	ssyncadd.s32 @p2 $0xFFFFE000;
	s5 =	simm.s32 $0x6700  }
0x245: {  	s7 =	simm.s32 $0xE700;
	v0 =	vld [tilespmem:s5+$0x80]  }
0x246: {  	v1 =	vld [tilespmem:s7+$0x80];
	_ =	sdelay $0x2  }
0x247: {  	v2 =	vld [tilespmem:s5+$0xFFFFFF80]  }
0x248: {  	v3 =	vld [tilespmem:s7+$0xFFFFFF80]  }
0x249: {  	v4 =	vld [tilespmem:s7+$0xFFFFFF00];
	v0 =	vsub.f32 v0, v1  }
0x24a: {  	s9 =	simm.s32 $0x16700;
	v1 =	vld [tilespmem:s5+$0xFFFFFF00]  }
0x24b: {  	[tilespmem:s9+$0x80] =	vst v0  }
0x24c: {  	v0 =	vld [tilespmem:s5+$0x90]  }
0x24d: {  	v2 =	vsub.f32 v2, v3;
	v3 =	vld [tilespmem:s7+$0x90]  }
0x24e: {  	v5 =	vld [tilespmem:s5+$0x0]  }
0x24f: {  	v6 =	vld [tilespmem:s7+$0x0];
	[tilespmem:s9+$0xFFFFFF80] =	vst v2;
	v1 =	vsub.f32 v1, v4  }
0x250: {  	v2 =	vld [tilespmem:s5+$0xFFFFFF90]  }
0x251: {  	v4 =	vld [tilespmem:s7+$0xFFFFFF90];
	[tilespmem:s9+$0xFFFFFF00] =	vst v1  }
0x252: {  	v1 =	vld [tilespmem:s5+$0xFFFFFF10];
	v0 =	vsub.f32 v0, v3  }
0x253: {  	v3 =	vld [tilespmem:s7+$0xFFFFFF10]  }
0x254: {  	v5 =	vsub.f32 v5, v6;
	[tilespmem:s9+$0x90] =	vst v0  }
0x255: {  	v0 =	vld [tilespmem:s5+$0xA0]  }
0x256: {  	[tilespmem:s9+$0x0] =	vst v5;
	v2 =	vsub.f32 v2, v4;
	v4 =	vld [tilespmem:s7+$0xA0]  }
0x257: {  	v5 =	vld [tilespmem:s5+$0x10]  }
0x258: {  	v6 =	vld [tilespmem:s7+$0x10];
	[tilespmem:s9+$0xFFFFFF90] =	vst v2;
	v1 =	vsub.f32 v1, v3  }
0x259: {  	v2 =	vld [tilespmem:s5+$0xFFFFFFA0]  }
0x25a: {  	v3 =	vld [tilespmem:s7+$0xFFFFFFA0];
	[tilespmem:s9+$0xFFFFFF10] =	vst v1  }
0x25b: {  	v1 =	vld [tilespmem:s5+$0xFFFFFF20];
	v0 =	vsub.f32 v0, v4  }
0x25c: {  	v4 =	vld [tilespmem:s7+$0xFFFFFF20]  }
0x25d: {  	v5 =	vsub.f32 v5, v6;
	[tilespmem:s9+$0xA0] =	vst v0  }
0x25e: {  	v0 =	vld [tilespmem:s5+$0xB0]  }
0x25f: {  	[tilespmem:s9+$0x10] =	vst v5;
	v2 =	vsub.f32 v2, v3;
	v3 =	vld [tilespmem:s7+$0xB0]  }
0x260: {  	v5 =	vld [tilespmem:s5+$0x20]  }
0x261: {  	[tilespmem:s9+$0xFFFFFFA0] =	vst v2;
	v2 =	vld [tilespmem:s7+$0x20];
	v1 =	vsub.f32 v1, v4  }
0x262: {  	v4 =	vld [tilespmem:s5+$0xFFFFFFB0]  }
0x263: {  	v6 =	vld [tilespmem:s7+$0xFFFFFFB0];
	[tilespmem:s9+$0xFFFFFF20] =	vst v1  }
0x264: {  	v1 =	vld [tilespmem:s5+$0xFFFFFF30];
	v0 =	vsub.f32 v0, v3  }
0x265: {  	v3 =	vld [tilespmem:s7+$0xFFFFFF30]  }
0x266: {  	v2 =	vsub.f32 v5, v2;
	[tilespmem:s9+$0xB0] =	vst v0  }
0x267: {  	v0 =	vld [tilespmem:s5+$0xC0]  }
0x268: {  	v4 =	vsub.f32 v4, v6;
	[tilespmem:s9+$0x20] =	vst v2;
	v2 =	vld [tilespmem:s7+$0xC0]  }
0x269: {  	v5 =	vld [tilespmem:s5+$0x30]  }
0x26a: {  	[tilespmem:s9+$0xFFFFFFB0] =	vst v4;
	v1 =	vsub.f32 v1, v3;
	v3 =	vld [tilespmem:s7+$0x30]  }
0x26b: {  	v4 =	vld [tilespmem:s5+$0xFFFFFFC0]  }
0x26c: {  	[tilespmem:s9+$0xFFFFFF30] =	vst v1;
	v1 =	vld [tilespmem:s7+$0xFFFFFFC0]  }
0x26d: {  	v6 =	vld [tilespmem:s5+$0xFFFFFF40];
	v0 =	vsub.f32 v0, v2  }
0x26e: {  	v2 =	vld [tilespmem:s7+$0xFFFFFF40]  }
0x26f: {  	v3 =	vsub.f32 v5, v3;
	[tilespmem:s9+$0xC0] =	vst v0  }
0x270: {  	v0 =	vld [tilespmem:s5+$0xD0]  }
0x271: {  	v1 =	vsub.f32 v4, v1;
	[tilespmem:s9+$0x30] =	vst v3;
	v3 =	vld [tilespmem:s7+$0xD0]  }
0x272: {  	v4 =	vld [tilespmem:s5+$0x40]  }
0x273: {  	v2 =	vsub.f32 v6, v2;
	[tilespmem:s9+$0xFFFFFFC0] =	vst v1;
	v1 =	vld [tilespmem:s7+$0x40]  }
0x274: {  	v5 =	vld [tilespmem:s5+$0xFFFFFFD0]  }
0x275: {  	[tilespmem:s9+$0xFFFFFF40] =	vst v2;
	v2 =	vld [tilespmem:s7+$0xFFFFFFD0]  }
0x276: {  	v6 =	vld [tilespmem:s5+$0xFFFFFF50];
	v0 =	vsub.f32 v0, v3  }
0x277: {  	v3 =	vld [tilespmem:s7+$0xFFFFFF50]  }
0x278: {  	v1 =	vsub.f32 v4, v1;
	[tilespmem:s9+$0xD0] =	vst v0  }
0x279: {  	v7 =	vld [tilespmem:s5+$0xE0]  }
0x27a: {  	v0 =	vsub.f32 v5, v2;
	v5 =	vld [tilespmem:s7+$0xE0];
	[tilespmem:s9+$0x40] =	vst v1  }
0x27b: {  	v1 =	vld [tilespmem:s5+$0x50]  }
0x27c: {  	v2 =	vsub.f32 v6, v3;
	[tilespmem:s9+$0xFFFFFFD0] =	vst v0;
	v4 =	vld [tilespmem:s7+$0x50]  }
0x27d: {  	v0 =	vld [tilespmem:s5+$0xFFFFFFE0]  }
0x27e: {  	v3 =	vld [tilespmem:s7+$0xFFFFFFE0];
	[tilespmem:s9+$0xFFFFFF50] =	vst v2  }
0x27f: {  	s15 =	simm.s32 $0x6900;
	v2 =	vld [tilespmem:s5+$0xFFFFFF60];
	v6 =	vsub.f32 v7, v5  }
0x280: {  	s18 =	simm.s32 $0xE700;
	s11 =	simm.s32 $0x16700;
	s12 =	simm.s32 $0x0;
	v5 =	vld [tilespmem:s7+$0xFFFFFF60]  }
.LBB2_9:
0x281: {  	v7 =	vld [tilespmem:s15+$0x80];
	v1 =	vsub.f32 v1, v4;
	[tilespmem:s9+$0xE0] =	vst v6  }
0x282: {  	v4 =	vld [tilespmem:s5+$0xF0]  }
0x283: {  	s18 =	sadd.s32 $0x200, s18;
	v0 =	vsub.f32 v0, v3;
	[tilespmem:s9+$0x50] =	vst v1;
	v1 =	vld [tilespmem:s7+$0xF0]  }
0x284: {  	v3 =	vld [tilespmem:s18+$0x80]  }
0x285: {  	v6 =	vld [tilespmem:s18+$0xFFFFFF00];
	v2 =	vsub.f32 v2, v5;
	[tilespmem:s9+$0xFFFFFFE0] =	vst v0  }
0x286: {  	v0 =	vld [tilespmem:s15+$0xFFFFFF80]  }
0x287: {  	v5 =	vld [tilespmem:s18+$0xFFFFFF80];
	[tilespmem:s9+$0xFFFFFF60] =	vst v2  }
0x288: {  	v2 =	vld [tilespmem:s15+$0x0];
	v1 =	vsub.f32 v4, v1  }
0x289: {  	v4 =	vld [tilespmem:s18+$0x0];
	v3 =	vsub.f32 v7, v3  }
0x28a: {  	s9 =	sadd.s32 $0x200, s9;
	v7 =	vld [tilespmem:s15+$0xFFFFFF00];
	[tilespmem:s11+$0xF0] =	vst v1  }
0x28b: {  	s12 =	sadd.s32 $0x4, s12;
	[tilespmem:s9+$0x80] =	vst v3;
	v1 =	vld [tilespmem:s5+$0x60]  }
0x28c: {  	p2 =	slt.u32 s12, $0x3C;
	v0 =	vsub.f32 v0, v5;
	v3 =	vld [tilespmem:s15+$0x90]  }
0x28d: {  	v5 =	vld [tilespmem:s18+$0x90]  }
0x28e: {  	[tilespmem:s9+$0xFFFFFF80] =	vst v0;
	v0 =	vsub.f32 v2, v4;
	v2 =	vld [tilespmem:s7+$0x60]  }
0x28f: {  	v4 =	vsub.f32 v7, v6;
	v6 =	vld [tilespmem:s15+$0xFFFFFF90]  }
0x290: {  	v7 =	vld [tilespmem:s18+$0xFFFFFF90];
	[tilespmem:s9+$0x0] =	vst v0  }
0x291: {  	[tilespmem:s9+$0xFFFFFF00] =	vst v4;
	v0 =	vld [tilespmem:s15+$0x10]  }
0x292: {  	v4 =	vld [tilespmem:s15+$0xFFFFFF10];
	v3 =	vsub.f32 v3, v5  }
0x293: {  	v5 =	vld [tilespmem:s18+$0xFFFFFF10];
	v1 =	vsub.f32 v1, v2  }
0x294: {  	v2 =	vld [tilespmem:s18+$0x10];
	[tilespmem:s9+$0x90] =	vst v3  }
0x295: {  	v3 =	vsub.f32 v6, v7;
	v6 =	vld [tilespmem:s15+$0xA0];
	[tilespmem:s11+$0x60] =	vst v1  }
0x296: {  	v1 =	vld [tilespmem:s18+$0xA0]  }
0x297: {  	[tilespmem:s9+$0xFFFFFF90] =	vst v3;
	v3 =	vld [tilespmem:s5+$0xFFFFFF70]  }
0x298: {  	v4 =	vsub.f32 v4, v5;
	v5 =	vld [tilespmem:s15+$0xFFFFFFA0]  }
0x299: {  	v7 =	vld [tilespmem:s18+$0xFFFFFFA0];
	v0 =	vsub.f32 v0, v2  }
0x29a: {  	[tilespmem:s9+$0xFFFFFF10] =	vst v4;
	v2 =	vld [tilespmem:s7+$0xFFFFFF70]  }
0x29b: {  	v4 =	vld [tilespmem:s15+$0xFFFFFF20];
	[tilespmem:s9+$0x10] =	vst v0;
	v0 =	vsub.f32 v6, v1  }
0x29c: {  	v1 =	vld [tilespmem:s18+$0xFFFFFF20]  }
0x29d: {  	v6 =	vld [tilespmem:s15+$0x20];
	[tilespmem:s9+$0xA0] =	vst v0  }
0x29e: {  	v0 =	vsub.f32 v5, v7;
	v5 =	vld [tilespmem:s15+$0xB0]  }
0x29f: {  	v7 =	vld [tilespmem:s18+$0xB0];
	v2 =	vsub.f32 v3, v2  }
0x2a0: {  	[tilespmem:s9+$0xFFFFFFA0] =	vst v0;
	v0 =	vld [tilespmem:s18+$0x20]  }
0x2a1: {  	v1 =	vsub.f32 v4, v1;
	v3 =	vld [tilespmem:s15+$0xFFFFFFB0];
	[tilespmem:s11+$0xFFFFFF70] =	vst v2  }
0x2a2: {  	v2 =	vld [tilespmem:s18+$0xFFFFFFB0]  }
0x2a3: {  	[tilespmem:s9+$0xFFFFFF20] =	vst v1;
	v1 =	vld [tilespmem:s5+$0xFFFFFFF0]  }
0x2a4: {  	v4 =	vld [tilespmem:s15+$0xFFFFFF30];
	v5 =	vsub.f32 v5, v7  }
0x2a5: {  	v7 =	vld [tilespmem:s18+$0xFFFFFF30];
	v0 =	vsub.f32 v6, v0  }
0x2a6: {  	[tilespmem:s9+$0xB0] =	vst v5;
	v5 =	vld [tilespmem:s7+$0xFFFFFFF0]  }
0x2a7: {  	v2 =	vsub.f32 v3, v2;
	[tilespmem:s9+$0x20] =	vst v0;
	v0 =	vld [tilespmem:s15+$0xC0]  }
0x2a8: {  	v3 =	vld [tilespmem:s18+$0xC0]  }
0x2a9: {  	[tilespmem:s9+$0xFFFFFFB0] =	vst v2;
	v2 =	vld [tilespmem:s15+$0x30]  }
0x2aa: {  	v4 =	vsub.f32 v4, v7;
	v6 =	vld [tilespmem:s18+$0x30]  }
0x2ab: {  	v7 =	vld [tilespmem:s15+$0xFFFFFFC0];
	v1 =	vsub.f32 v1, v5  }
0x2ac: {  	[tilespmem:s9+$0xFFFFFF30] =	vst v4;
	v4 =	vld [tilespmem:s18+$0xFFFFFFC0]  }
0x2ad: {  	v5 =	vld [tilespmem:s15+$0xFFFFFF40];
	v0 =	vsub.f32 v0, v3;
	[tilespmem:s11+$0xFFFFFFF0] =	vst v1  }
0x2ae: {  	v1 =	vld [tilespmem:s18+$0xFFFFFF40]  }
0x2af: {  	v2 =	vsub.f32 v2, v6;
	[tilespmem:s9+$0xC0] =	vst v0;
	v3 =	vld [tilespmem:s5+$0x70];
	s5 =	smov.u32 s15  }
0x2b0: {  	v0 =	vld [tilespmem:s15+$0xD0]  }
0x2b1: {  	v4 =	vsub.f32 v7, v4;
	[tilespmem:s9+$0x30] =	vst v2;
	v2 =	vld [tilespmem:s18+$0xD0]  }
0x2b2: {  	v6 =	vld [tilespmem:s15+$0x40]  }
0x2b3: {  	v1 =	vsub.f32 v5, v1;
	[tilespmem:s9+$0xFFFFFFC0] =	vst v4;
	v4 =	vld [tilespmem:s18+$0x40]  }
0x2b4: {  	v5 =	vld [tilespmem:s15+$0xFFFFFFD0]  }
0x2b5: {  	[tilespmem:s9+$0xFFFFFF40] =	vst v1;
	v1 =	vld [tilespmem:s18+$0xFFFFFFD0]  }
0x2b6: {  	v7 =	vld [tilespmem:s15+$0xFFFFFF50];
	v0 =	vsub.f32 v0, v2  }
0x2b7: {  	v2 =	vld [tilespmem:s18+$0xFFFFFF50]  }
0x2b8: {  	v4 =	vsub.f32 v6, v4;
	[tilespmem:s9+$0xD0] =	vst v0;
	v6 =	vld [tilespmem:s7+$0x70];
	s7 =	smov.u32 s18  }
0x2b9: {  	v8 =	vld [tilespmem:s15+$0xE0]  }
0x2ba: {  	v0 =	vsub.f32 v5, v1;
	[tilespmem:s9+$0x40] =	vst v4;
	v5 =	vld [tilespmem:s18+$0xE0]  }
0x2bb: {  	v1 =	vld [tilespmem:s15+$0x50]  }
.Ltmp5:
0x2bc: {  	v2 =	vsub.f32 v7, v2;
	[tilespmem:s9+$0xFFFFFFD0] =	vst v0;
	v4 =	vld [tilespmem:s18+$0x50];
	(pc) =	sbr.rel @p2 .LBB2_9-.Ltmp5, $4  }
0x2bd: {  	v0 =	vld [tilespmem:s15+$0xFFFFFFE0];
	v7 =	vsub.f32 v3, v6  }
0x2be: {  	[tilespmem:s9+$0xFFFFFF50] =	vst v2;
	v3 =	vld [tilespmem:s18+$0xFFFFFFE0]  }
0x2bf: {  	v2 =	vld [tilespmem:s15+$0xFFFFFF60];
	v6 =	vsub.f32 v8, v5;
	[tilespmem:s11+$0x70] =	vst v7;
	s11 =	smov.u32 s9  }
0x2c0: {  	s15 =	sadd.s32 $0x200, s15;
	v5 =	vld [tilespmem:s18+$0xFFFFFF60]  }
0x2c1: {  	v1 =	vsub.f32 v1, v4;
	_ =	sdelay $0x1  }
0x2c2: {  	[tilespmem:s9+$0x50] =	vst v1  }
0x2c3: {  	v1 =	vld [tilespmem:s5+$0x60]  }
0x2c4: {  	v55 =	vld [tilespmem:s7+$0x60]  }
0x2c5: {  	[tilespmem:s9+$0xE0] =	vst v6;
	v0 =	vsub.f32 v0, v3  }
0x2c6: {  	v56 =	vld [tilespmem:s5+$0xF0]  }
0x2c7: {  	v57 =	vld [tilespmem:s7+$0xF0];
	v2 =	vsub.f32 v2, v5;
	[tilespmem:s9+$0xFFFFFFE0] =	vst v0  }
0x2c8: {  	v60 =	vld [tilespmem:s5+$0xFFFFFFF0]  }
0x2c9: {  	v61 =	vld [tilespmem:s7+$0xFFFFFFF0];
	[tilespmem:s9+$0xFFFFFF60] =	vst v2;
	v58 =	vsub.f32 v1, v55  }
0x2ca: {  	v2 =	vld [tilespmem:s5+$0xFFFFFF70]  }
0x2cb: {  	v59 =	vld [tilespmem:s7+$0xFFFFFF70];
	[tilespmem:s11+$0x60] =	vst v58  }
0x2cc: {  	v62 =	vld [tilespmem:s5+$0x70]  }
0x2cd: {  	v7 =	vld [tilespmem:s7+$0x70];
	_ =	sdelay $0x1  }
0x2ce: {  	v3 =	vsub.f32 v56, v57  }
0x2cf: {  	v0 =	vsub.f32 v60, v61  }
.Ltmp6:
0x2d0: {  	[tilespmem:s11+$0xF0] =	vst v3;
	v1 =	vsub.f32 v2, v59;
	(pc) =	sbr.rel @!p1 .LBB2_12-.Ltmp6, $4  }
0x2d1: {  	[tilespmem:s11+$0xFFFFFFF0] =	vst v0;
	v63 =	vsub.f32 v62, v7  }
0x2d2: {  	s31 =	sshll.u32 s6, $0xA;
	[tilespmem:s11+$0xFFFFFF70] =	vst v1  }
0x2d3: {  	s5 =	sadd.s32 s31, s8;
	[tilespmem:s11+$0x70] =	vst v63  }
0x2d4: {  	[hbm4b:s5+s4] =	stream.linear.scatter [tilespmem:s10], [sflag:$0x10], $0x2000, $0x38;
	[tilespmem:$0x1A540] =	vst v63  }
.Ltmp7:
0x2d5: {  	(pc) =	sbr.rel .LBB2_2-.Ltmp7, $4  }
0x2d6: {  	s5 =	simm.s32 $0x1C0;
	s31 =	simm.s32 $0xE600;
	s6 =	simm.s32 $0x5C0  }
0x2d7: {  	[tilespmem:s25], [sflag:$0x4] =	stream.indirect.gather [hbm4b:s0+s14], $0x80, s5, s14, $0xb8;
	[tilespmem:$0x1A540] =	vst v63  }
0x2d8: {  	s9 =	simm.s32 $0x1;
	p1 =	por $0x0, $0x0;
	p2 =	por $0x1, $0x1  }
0x2d9: {  	[tilespmem:s31], [sflag:$0x8] =	stream.indirect.gather [hbm4b:s0+s14], $0x80, s6, s14, $0xb8;
	[tilespmem:$0x1A540] =	vst v63  }
.LBB2_13:
0x2da: {  	_ =	sfence.sel $0x180000  }
0x2db: {  	[bflag:$0x0] =	sbarrier.arrive $0xFFFF  }
0x2dc: {  	_ =	strace $0x90000047  }
0x2dd: {  	[bflag:$0x2] =	sbarrier.arrive $0xFFFF  }
0x2de: {  	s0 =	rddreg [dreg:$0x7]  }
0x2df: {  	s0 =	sadd.s32 @!p0 $0x100000, s0  }
0x2e0: {  	[sflag:s0] =	ssyncadd.tile.s32 @!p0 $0x1;
	_ =	shalt  }
.Lfunc_end2:
_tile_overlayer_lowered:
.L_overlay_start_2:
0x2e1: {  	(tag) =	ssettag $0x2  }
0x2e2: {  	s0 =	rddreg [dreg:$0x0];
	s2 =	stileid.u32  }
0x2e3: {  	s1 =	rddreg [dreg:$0x1];
	p0 =	sne.s32 s2, $0x0  }
0x2e4: {  	s3 =	rddreg [dreg:$0x2];
	[bflag:$0x3] =	sbarrier.arrive $0xFFFF;
	s2 =	simm.s32 @!p0 $0x1C11  }
0x2e5: {  	[timem:s3], [sflag:s2] =	dma.local @!p0 [hbm:s0], s1  }
0x2e6: {  	s0 =	simm.s32 @!p0 $0x11  }
0x2e7: {  	_ =	swait.ge @!p0 [sflag:s0], s1  }
0x2e8: {  	s1 =	ssub.s32 @!p0 $0x0, s1;
	[sflag:s0] =	ssyncset.done @!p0 $0x0  }
0x2e9: {  	[sflag:s0] =	ssyncadd.s32 @!p0 s1  }
0x2ea: {  	[bflag:$0x3] =	sbarrier.arrive $0xFFFF  }
0x2eb: {  	_ =	shalt  }

</sc_bundles>
